<compile_context>
chip_gen: v7x
topology: tpu7x:2x2x1
jax: 0.10.2.dev20260603
libtpu: 0.0.44.dev20260713+nightly
codegen_flags: <defaults>
</compile_context>

<pallas_src>
import functools

import jax
import jax.numpy as jnp
from jax.experimental import pallas as pl
from jax.experimental.pallas import tpu as pltpu
from jax.experimental.pallas import tpu_sc as plsc

_BETA = 0.25
_K = 8192
_C = 256
_TB = 1024
_KB = 512
_PASS_BOUNDS = (0, 2736, 5472, 8192)


def _argmin_body(xsq_ref, cbsq_ref, x_ref, cb_ref, ids_ref, loss_ref):
    i = pl.program_id(0)
    x = x_ref[...]
    xb = x.astype(jnp.bfloat16)
    xsq = xsq_ref[...]

    inf = jnp.full((_TB,), jnp.inf, jnp.float32)
    pv = [inf, inf, inf]
    pi = [jnp.zeros((_TB,), jnp.int32)] * 3
    iota_base = jax.lax.broadcasted_iota(jnp.int32, (_TB, _KB), 1)

    for j in range(_K // _KB):
        k0 = j * _KB
        cb = cb_ref[k0:k0 + _KB, :]
        mm = jax.lax.dot_general(
            xb, cb.astype(jnp.bfloat16), (((1,), (1,)), ((), ())),
            preferred_element_type=jnp.float32)
        sq = cbsq_ref[0:1, k0:k0 + _KB] + xsq
        dist = sq - mm * 2.0

        for p in range(3):
            lo, hi = _PASS_BOUNDS[p], _PASS_BOUNDS[p + 1]
            if hi <= k0 or lo >= k0 + _KB:
                continue
            if lo <= k0 and hi >= k0 + _KB:
                d = dist
            else:
                sel = (iota_base >= lo - k0) & (iota_base < hi - k0)
                d = jnp.where(sel, dist, jnp.inf)
            vmin = jnp.min(d, axis=1, keepdims=True)
            hit = d == vmin
            li = jnp.min(jnp.where(hit, iota_base, _K), axis=1) + k0
            v = vmin[:, 0]
            upd = v < pv[p]
            pi[p] = jnp.where(upd, li, pi[p])
            pv[p] = jnp.where(upd, v, pv[p])

    acc_v = jnp.full((_TB,), jnp.inf, jnp.float32)
    acc_e = jnp.full((_TB,), jnp.inf, jnp.float32)
    acc_i = jnp.zeros((_TB,), jnp.int32)
    for p in range(3):
        keep = (acc_v < pv[p]) | ((acc_v == pv[p]) & (acc_i < pi[p]))
        acc_i = jnp.where(keep, acc_i, pi[p])
        acc_e = jnp.where(keep, acc_e, pv[p])
        acc_v = jnp.where(keep, acc_v, pv[p]).astype(jnp.bfloat16).astype(jnp.float32)

    ids_ref[0, 0, :] = acc_i

    @pl.when(i == 0)
    def _():
        loss_ref[...] = jnp.zeros_like(loss_ref)

    loss_ref[...] += jnp.sum(acc_e).reshape(1, 1)


def _argmin_call(x_, x_sq, cb, cb_sq):
    n_tok = x_.shape[0]
    n_blk = n_tok // _TB
    return pl.pallas_call(
        _argmin_body,
        grid=(n_blk,),
        in_specs=[
            pl.BlockSpec((_TB, 1), lambda i: (i, 0)),
            pl.BlockSpec((1, _K), lambda i: (0, 0)),
            pl.BlockSpec((_TB, _C), lambda i: (i, 0)),
            pl.BlockSpec((_K, _C), lambda i: (0, 0)),
        ],
        out_specs=[
            pl.BlockSpec((1, 1, _TB), lambda i: (i, 0, 0)),
            pl.BlockSpec((1, 1), lambda i: (0, 0)),
        ],
        out_shape=[
            jax.ShapeDtypeStruct((n_blk, 1, _TB), jnp.int32),
            jax.ShapeDtypeStruct((1, 1), jnp.float32),
        ],
    )(x_sq.reshape(n_blk * _TB, 1), cb_sq.reshape(1, _K), x_, cb)


def _gather_call(cb, ids_flat):
    info = plsc.get_sparse_core_info()
    nw = info.num_cores * info.num_subcores
    b = ids_flat.shape[0]
    b_per_w = b // nw
    mesh = plsc.VectorSubcoreMesh(core_axis_name="c", subcore_axis_name="s")
    ch = 256

    @functools.partial(
        pl.kernel, mesh=mesh,
        out_type=jax.ShapeDtypeStruct((b, _C), jnp.float32),
        scratch_types=[
            pltpu.VMEM((b_per_w,), jnp.int32),
            pltpu.VMEM((ch, _C), jnp.float32),
            pltpu.SemaphoreType.DMA,
        ],
    )
    def k(table_hbm, idx_hbm, out_hbm, idx_v, rows_v, sem):
        wid = jax.lax.axis_index("s") * info.num_cores + jax.lax.axis_index("c")
        base = wid * b_per_w
        pltpu.sync_copy(idx_hbm.at[pl.ds(base, b_per_w)], idx_v)
        for j in range(b_per_w // ch):
            pltpu.async_copy(table_hbm.at[idx_v.at[pl.ds(j * ch, ch)]],
                             rows_v, sem).wait()
            pltpu.sync_copy(rows_v, out_hbm.at[pl.ds(base + j * ch, ch)])

    return k(cb, ids_flat)


def kernel(x, code_book):
    b, c, h, w = x.shape
    x_ = jnp.transpose(x, (0, 2, 3, 1)).reshape(-1, c)
    x_sq = jnp.sum(x_ ** 2, axis=-1)
    cb_sq = jnp.sum(code_book ** 2, axis=-1)

    ids_blocks, loss_sum = _argmin_call(x_, x_sq, code_book, cb_sq)
    ids_flat = ids_blocks.reshape(-1)

    emb_flat = _gather_call(code_book, ids_flat)

    ids = ids_flat.reshape(b, h, w)
    emb = jnp.transpose(emb_flat.reshape(b, h, w, c), (0, 3, 1, 2))
    emb_loss = loss_sum[0, 0] * (1.0 + _BETA) / x.size
    return ids, emb, emb_loss

# --- scband reference (transcript-rebuilt; emitter-appended) ---
"""Pipeline reference for scband-vector-quantizer-56324201120199 (READ-ONLY COPY).

The authoritative reference and input builder live on the scoring server;
editing this copy changes nothing except your own understanding.
"""

import jax, jax.numpy as jnp
import numpy as np

NUM_EMB = 8192
DIM = 256
BETA = 0.25


def setup_inputs(seed: int = 0) -> dict:
    key = jax.random.key(seed)
    k1, k2 = jax.random.split(key)
    x = jax.random.normal(k1, (16, 256, 32, 32), dtype=jnp.float32)
    code_book = jax.random.uniform(
        k2, (NUM_EMB, DIM), minval=-1.0 / NUM_EMB, maxval=1.0 / NUM_EMB, dtype=jnp.float32
    )
    return {"x": x, "code_book": code_book}


def reference(x, code_book):
    b, c, h, w = x.shape
    # rearrange 'b c h w -> (b h w) c'
    x_ = jnp.transpose(x, (0, 2, 3, 1)).reshape(-1, c)
    sq = jnp.sum(code_book ** 2, axis=-1)[None, :] + jnp.sum(x_ ** 2, axis=-1)[:, None]
    dist = sq - 2.0 * jnp.einsum('bc,kc->bk', x_, code_book)
    ids = jnp.argmin(dist, axis=-1)
    ids = ids.reshape(b, h, w)
    emb = code_book[ids]  # (b, h, w, c)
    emb = jnp.transpose(emb, (0, 3, 1, 2))  # (b, c, h, w)
    dict_loss = jnp.mean((jax.lax.stop_gradient(x) - emb) ** 2)
    commitment_loss = BETA * jnp.mean((x - jax.lax.stop_gradient(emb)) ** 2)
    emb_loss = dict_loss + commitment_loss
    emb_out = x + jax.lax.stop_gradient(emb - x)
    return (ids, emb_out, emb_loss)

if __name__ == "__main__":
    import jax
    _d = setup_inputs()
    print(jax.jit(kernel)(*tuple(_d.values())))

</pallas_src>

<mosaic_0001>
#map = affine_map<(d0, d1) -> (0, 0)>
#map1 = affine_map<(d0, d1) -> (0)>
module attributes {stable_mosaic.version = 14 : i64} {
  func.func @k(%arg0: i32, %arg1: i32, %arg2: memref<8192x256xf32, #tpu.memory_space<hbm>>, %arg3: memref<16384xi32, #tpu.memory_space<hbm>>, %arg4: memref<16384x256xf32, #tpu.memory_space<hbm>>, %arg5: memref<512xi32, #tpu.memory_space<vmem>>, %arg6: memref<256x256xf32, #tpu.memory_space<vmem>>, %arg7: memref<!tpu.dma_semaphore, #tpu.memory_space<semaphore_mem>>) attributes {dimension_semantics = [#tpu.dimension_semantics<core_parallel>, #tpu.dimension_semantics<subcore_parallel>], iteration_bounds = array<i64: 2, 16>, scalar_prefetch = 0 : i64, scratch_operands = 3 : i64, tpu.core_type = #tpu.core_type<sc_vector_subcore>, window_params = [{transform_indices = #map}, {transform_indices = #map1}, {transform_indices = #map}]} {
    %mul3A = arith.constant 2 : i32
    %mul3A_0 = arith.muli %arg1, %mul3A : i32
    %add3A = arith.addi %mul3A_0, %arg0 : i32
    %mul3A_1 = arith.constant 512 : i32
    %mul3A_2 = arith.muli %add3A, %mul3A_1 : i32
    "tpu.region"() ({
      %run_scoped3A = tpu.sem_alloc : memref<!tpu.dma_semaphore, #tpu.memory_space<semaphore_mem>>
      %dma_start3A_25 = tpu.memref_slice %arg3[%mul3A_2] : memref<16384xi32, #tpu.memory_space<hbm>> -> memref<512xi32, #tpu.memory_space<hbm>>
      %dma_start3A_26 = tpu.memref_slice %arg3[%mul3A_2] : memref<16384xi32, #tpu.memory_space<hbm>> -> memref<512xi32, #tpu.memory_space<hbm>>
      tpu.enqueue_dma source(%dma_start3A_26 : memref<512xi32, #tpu.memory_space<hbm>>) target(%arg5 : memref<512xi32, #tpu.memory_space<vmem>>) target_semaphore(%run_scoped3A : memref<!tpu.dma_semaphore, #tpu.memory_space<semaphore_mem>>)
      %dma_wait3A_27 = tpu.memref_slice %arg3[%mul3A_2] : memref<16384xi32, #tpu.memory_space<hbm>> -> memref<512xi32, #tpu.memory_space<hbm>>
      %dma_wait3A_28 = tpu.memref_slice %arg3[%mul3A_2] : memref<16384xi32, #tpu.memory_space<hbm>> -> memref<512xi32, #tpu.memory_space<hbm>>
      tpu.wait_dma2 semaphore(%run_scoped3A : memref<!tpu.dma_semaphore, #tpu.memory_space<semaphore_mem>>) src(%dma_wait3A_28 : memref<512xi32, #tpu.memory_space<hbm>>) dst(%arg5 : memref<512xi32, #tpu.memory_space<vmem>>)
      tpu.yield
    }) : () -> ()
    %dma_start3A = arith.constant 0 : i32
    %dma_start3A_3 = tpu.memref_slice %arg5[%dma_start3A] : memref<512xi32, #tpu.memory_space<vmem>> -> memref<256xi32, #tpu.memory_space<vmem>>
    %dma_start3A_4 = arith.constant 0 : i32
    %dma_start3A_5 = arith.constant 0 : i32
    %dma_start3A_6 = tpu.memref_slice %arg2[%dma_start3A_4, %dma_start3A_5] : memref<8192x256xf32, #tpu.memory_space<hbm>> -> memref<8192x256xf32, #tpu.memory_space<hbm>>
    tpu.enqueue_indirect_dma source(%dma_start3A_6 : memref<8192x256xf32, #tpu.memory_space<hbm>>) target(%arg6 : memref<256x256xf32, #tpu.memory_space<vmem>>) offsets(%dma_start3A_3 : memref<256xi32, #tpu.memory_space<vmem>>) semaphore(%arg7 : memref<!tpu.dma_semaphore, #tpu.memory_space<semaphore_mem>>)
    %dma_wait3A = arith.constant 0 : i32
    %dma_wait3A_7 = tpu.memref_slice %arg5[%dma_wait3A] : memref<512xi32, #tpu.memory_space<vmem>> -> memref<256xi32, #tpu.memory_space<vmem>>
    %dma_wait3A_8 = arith.constant 0 : i32
    %dma_wait3A_9 = arith.constant 0 : i32
    %dma_wait3A_10 = tpu.memref_slice %arg2[%dma_wait3A_8, %dma_wait3A_9] : memref<8192x256xf32, #tpu.memory_space<hbm>> -> memref<8192x256xf32, #tpu.memory_space<hbm>>
    tpu.wait_indirect_dma semaphore(%arg7 : memref<!tpu.dma_semaphore, #tpu.memory_space<semaphore_mem>>) src(%dma_wait3A_10 : memref<8192x256xf32, #tpu.memory_space<hbm>>) dst(%arg6 : memref<256x256xf32, #tpu.memory_space<vmem>>)
    %add3A_11 = arith.constant 0 : i32
    %add3A_12 = arith.addi %mul3A_2, %add3A_11 : i32
    "tpu.region"() ({
      %run_scoped3A = tpu.sem_alloc : memref<!tpu.dma_semaphore, #tpu.memory_space<semaphore_mem>>
      %dma_start3A_25 = arith.constant 0 : i32
      %dma_start3A_26 = tpu.memref_slice %arg4[%add3A_12, %dma_start3A_25] : memref<16384x256xf32, #tpu.memory_space<hbm>> -> memref<256x256xf32, #tpu.memory_space<hbm>>
      %dma_start3A_27 = arith.constant 0 : i32
      %dma_start3A_28 = tpu.memref_slice %arg4[%add3A_12, %dma_start3A_27] : memref<16384x256xf32, #tpu.memory_space<hbm>> -> memref<256x256xf32, #tpu.memory_space<hbm>>
      tpu.enqueue_dma source(%arg6 : memref<256x256xf32, #tpu.memory_space<vmem>>) target(%dma_start3A_28 : memref<256x256xf32, #tpu.memory_space<hbm>>) target_semaphore(%run_scoped3A : memref<!tpu.dma_semaphore, #tpu.memory_space<semaphore_mem>>)
      %dma_wait3A_29 = arith.constant 0 : i32
      %dma_wait3A_30 = tpu.memref_slice %arg4[%add3A_12, %dma_wait3A_29] : memref<16384x256xf32, #tpu.memory_space<hbm>> -> memref<256x256xf32, #tpu.memory_space<hbm>>
      %dma_wait3A_31 = arith.constant 0 : i32
      %dma_wait3A_32 = tpu.memref_slice %arg4[%add3A_12, %dma_wait3A_31] : memref<16384x256xf32, #tpu.memory_space<hbm>> -> memref<256x256xf32, #tpu.memory_space<hbm>>
      tpu.wait_dma2 semaphore(%run_scoped3A : memref<!tpu.dma_semaphore, #tpu.memory_space<semaphore_mem>>) src(%arg6 : memref<256x256xf32, #tpu.memory_space<vmem>>) dst(%dma_wait3A_32 : memref<256x256xf32, #tpu.memory_space<hbm>>)
      tpu.yield
    }) : () -> ()
    %dma_start3A_13 = arith.constant 256 : i32
    %dma_start3A_14 = tpu.memref_slice %arg5[%dma_start3A_13] : memref<512xi32, #tpu.memory_space<vmem>> -> memref<256xi32, #tpu.memory_space<vmem>>
    %dma_start3A_15 = arith.constant 0 : i32
    %dma_start3A_16 = arith.constant 0 : i32
    %dma_start3A_17 = tpu.memref_slice %arg2[%dma_start3A_15, %dma_start3A_16] : memref<8192x256xf32, #tpu.memory_space<hbm>> -> memref<8192x256xf32, #tpu.memory_space<hbm>>
    tpu.enqueue_indirect_dma source(%dma_start3A_17 : memref<8192x256xf32, #tpu.memory_space<hbm>>) target(%arg6 : memref<256x256xf32, #tpu.memory_space<vmem>>) offsets(%dma_start3A_14 : memref<256xi32, #tpu.memory_space<vmem>>) semaphore(%arg7 : memref<!tpu.dma_semaphore, #tpu.memory_space<semaphore_mem>>)
    %dma_wait3A_18 = arith.constant 256 : i32
    %dma_wait3A_19 = tpu.memref_slice %arg5[%dma_wait3A_18] : memref<512xi32, #tpu.memory_space<vmem>> -> memref<256xi32, #tpu.memory_space<vmem>>
    %dma_wait3A_20 = arith.constant 0 : i32
    %dma_wait3A_21 = arith.constant 0 : i32
    %dma_wait3A_22 = tpu.memref_slice %arg2[%dma_wait3A_20, %dma_wait3A_21] : memref<8192x256xf32, #tpu.memory_space<hbm>> -> memref<8192x256xf32, #tpu.memory_space<hbm>>
    tpu.wait_indirect_dma semaphore(%arg7 : memref<!tpu.dma_semaphore, #tpu.memory_space<semaphore_mem>>) src(%dma_wait3A_22 : memref<8192x256xf32, #tpu.memory_space<hbm>>) dst(%arg6 : memref<256x256xf32, #tpu.memory_space<vmem>>)
    %add3A_23 = arith.constant 256 : i32
    %add3A_24 = arith.addi %mul3A_2, %add3A_23 : i32
    "tpu.region"() ({
      %run_scoped3A = tpu.sem_alloc : memref<!tpu.dma_semaphore, #tpu.memory_space<semaphore_mem>>
      %dma_start3A_25 = arith.constant 0 : i32
      %dma_start3A_26 = tpu.memref_slice %arg4[%add3A_24, %dma_start3A_25] : memref<16384x256xf32, #tpu.memory_space<hbm>> -> memref<256x256xf32, #tpu.memory_space<hbm>>
      %dma_start3A_27 = arith.constant 0 : i32
      %dma_start3A_28 = tpu.memref_slice %arg4[%add3A_24, %dma_start3A_27] : memref<16384x256xf32, #tpu.memory_space<hbm>> -> memref<256x256xf32, #tpu.memory_space<hbm>>
      tpu.enqueue_dma source(%arg6 : memref<256x256xf32, #tpu.memory_space<vmem>>) target(%dma_start3A_28 : memref<256x256xf32, #tpu.memory_space<hbm>>) target_semaphore(%run_scoped3A : memref<!tpu.dma_semaphore, #tpu.memory_space<semaphore_mem>>)
      %dma_wait3A_29 = arith.constant 0 : i32
      %dma_wait3A_30 = tpu.memref_slice %arg4[%add3A_24, %dma_wait3A_29] : memref<16384x256xf32, #tpu.memory_space<hbm>> -> memref<256x256xf32, #tpu.memory_space<hbm>>
      %dma_wait3A_31 = arith.constant 0 : i32
      %dma_wait3A_32 = tpu.memref_slice %arg4[%add3A_24, %dma_wait3A_31] : memref<16384x256xf32, #tpu.memory_space<hbm>> -> memref<256x256xf32, #tpu.memory_space<hbm>>
      tpu.wait_dma2 semaphore(%run_scoped3A : memref<!tpu.dma_semaphore, #tpu.memory_space<semaphore_mem>>) src(%arg6 : memref<256x256xf32, #tpu.memory_space<vmem>>) dst(%dma_wait3A_32 : memref<256x256xf32, #tpu.memory_space<hbm>>)
      tpu.yield
    }) : () -> ()
    return
  }
}

module attributes {stable_mosaic.version = 14 : i64} {
  func.func @_argmin_body(%arg0: i32, %arg1: memref<1024x1xf32, #tpu.memory_space<vmem>>, %arg2: memref<1x8192xf32, #tpu.memory_space<vmem>>, %arg3: memref<1024x256xf32, #tpu.memory_space<vmem>>, %arg4: memref<8192x256xf32, #tpu.memory_space<vmem>>, %arg5: memref<1x1x1024xi32, #tpu.memory_space<vmem>>, %arg6: memref<1x1xf32, #tpu.memory_space<vmem>>) attributes {dimension_semantics = [#tpu.dimension_semantics<arbitrary>], iteration_bounds = array<i64: 16>, scalar_prefetch = 0 : i64, scratch_operands = 0 : i64, tpu.core_type = #tpu.core_type<tc>, window_params = [{transform_indices = @transform_0, window_bounds = array<i64: 1024, 1>}, {pipeline_mode = #tpu.pipeline_mode<synchronous>, transform_indices = @transform_1, window_bounds = array<i64: 1, 8192>}, {transform_indices = @transform_2, window_bounds = array<i64: 1024, 256>}, {pipeline_mode = #tpu.pipeline_mode<synchronous>, transform_indices = @transform_3, window_bounds = array<i64: 8192, 256>}, {transform_indices = @transform_4, window_bounds = array<i64: 1, 1, 1024>}, {pipeline_mode = #tpu.pipeline_mode<synchronous>, transform_indices = @transform_5, window_bounds = array<i64: 1, 1>}]} {
    %get3A = arith.constant 0 : index
    %get3A_0 = arith.constant 0 : index
    %get3A_1 = vector.load %arg3[%get3A, %get3A_0] : memref<1024x256xf32, #tpu.memory_space<vmem>>, vector<1024x256xf32>
    %convert_element_type3A = arith.truncf %get3A_1 : vector<1024x256xf32> to vector<1024x256xbf16>
    %get3A_2 = arith.constant 0 : index
    %get3A_3 = arith.constant 0 : index
    %get3A_4 = vector.load %arg1[%get3A_2, %get3A_3] : memref<1024x1xf32, #tpu.memory_space<vmem>>, vector<1024x1xf32>
    %broadcast_in_dim3A = arith.constant 0x7F800000 : f32
    %broadcast_in_dim3A_5 = vector.broadcast %broadcast_in_dim3A : f32 to vector<1024xf32>
    %broadcast_in_dim3A_6 = arith.constant 0 : i32
    %broadcast_in_dim3A_7 = vector.broadcast %broadcast_in_dim3A_6 : i32 to vector<1024xi32>
    %iota3A = tpu.iota {dimensions = array<i32: 1>} : vector<1024x512xi32>
    %get3A_8 = arith.constant 0 : index
    %get3A_9 = arith.constant 0 : index
    %get3A_10 = vector.load %arg4[%get3A_8, %get3A_9] : memref<8192x256xf32, #tpu.memory_space<vmem>>, vector<512x256xf32>
    %convert_element_type3A_11 = arith.truncf %get3A_10 : vector<512x256xf32> to vector<512x256xbf16>
    %dot_general3A = arith.constant dense<0.000000e+00> : vector<1024x512xf32>
    %dot_general3A_12 = tpu.matmul %convert_element_type3A, %convert_element_type3A_11, %dot_general3A {dimension_numbers = #tpu.dot_dimension_numbers<[1], [1], [0], [0], [0, 0, 1, 0], [], []>, transpose_lhs_hint = false} : vector<1024x256xbf16>, vector<512x256xbf16>, vector<1024x512xf32> -> vector<1024x512xf32>
    %get3A_13 = arith.constant 0 : index
    %get3A_14 = arith.constant 0 : index
    %get3A_15 = vector.load %arg2[%get3A_13, %get3A_14] : memref<1x8192xf32, #tpu.memory_space<vmem>>, vector<1x512xf32>
    %add3A = vector.broadcast %get3A_15 : vector<1x512xf32> to vector<1024x512xf32>
    %add3A_16 = vector.broadcast %get3A_4 : vector<1024x1xf32> to vector<1024x512xf32>
    %add3A_17 = arith.addf %add3A, %add3A_16 : vector<1024x512xf32>
    %mul3A = arith.constant 2.000000e+00 : f32
    %mul3A_18 = vector.broadcast %mul3A : f32 to vector<1024x512xf32>
    %mul3A_19 = arith.mulf %dot_general3A_12, %mul3A_18 : vector<1024x512xf32>
    %sub3A = arith.subf %add3A_17, %mul3A_19 : vector<1024x512xf32>
    %reduce_min3A = arith.constant dense<0x7F800000> : vector<1024xf32>
    %reduce_min3A_20 = vector.multi_reduction <minimumf>, %sub3A, %reduce_min3A [1] : vector<1024x512xf32> to vector<1024xf32>
    %broadcast_in_dim3A_21 = vector.shape_cast %reduce_min3A_20 : vector<1024xf32> to vector<1024x1xf32>
    %eq3A = vector.broadcast %broadcast_in_dim3A_21 : vector<1024x1xf32> to vector<1024x512xf32>
    %eq3A_22 = arith.cmpf oeq, %sub3A, %eq3A : vector<1024x512xf32>
    %jit3A = arith.constant 8192 : i32
    %broadcast_in_dim3A_23 = vector.broadcast %jit3A : i32 to vector<1024x512xi32>
    %select_n3A = arith.select %eq3A_22, %iota3A, %broadcast_in_dim3A_23 : vector<1024x512xi1>, vector<1024x512xi32>
    %reduce_min3A_24 = arith.constant dense<2147483647> : vector<1024xi32>
    %reduce_min3A_25 = vector.multi_reduction <minsi>, %select_n3A, %reduce_min3A_24 [1] : vector<1024x512xi32> to vector<1024xi32>
    %add3A_26 = arith.constant 0 : i32
    %add3A_27 = vector.broadcast %add3A_26 : i32 to vector<1024xi32>
    %add3A_28 = arith.addi %reduce_min3A_25, %add3A_27 : vector<1024xi32>
    %squeeze3A = vector.shape_cast %broadcast_in_dim3A_21 : vector<1024x1xf32> to vector<1024xf32>
    %lt3A = arith.cmpf olt, %squeeze3A, %broadcast_in_dim3A_5 : vector<1024xf32>
    %select_n3A_29 = arith.select %lt3A, %add3A_28, %broadcast_in_dim3A_7 : vector<1024xi1>, vector<1024xi32>
    %select_n3A_30 = arith.select %lt3A, %squeeze3A, %broadcast_in_dim3A_5 : vector<1024xi1>, vector<1024xf32>
    %get3A_31 = arith.constant 512 : index
    %get3A_32 = arith.constant 0 : index
    %get3A_33 = vector.load %arg4[%get3A_31, %get3A_32] : memref<8192x256xf32, #tpu.memory_space<vmem>>, vector<512x256xf32>
    %convert_element_type3A_34 = arith.truncf %get3A_33 : vector<512x256xf32> to vector<512x256xbf16>
    %dot_general3A_35 = arith.constant dense<0.000000e+00> : vector<1024x512xf32>
    %dot_general3A_36 = tpu.matmul %convert_element_type3A, %convert_element_type3A_34, %dot_general3A_35 {dimension_numbers = #tpu.dot_dimension_numbers<[1], [1], [0], [0], [0, 0, 1, 0], [], []>, transpose_lhs_hint = false} : vector<1024x256xbf16>, vector<512x256xbf16>, vector<1024x512xf32> -> vector<1024x512xf32>
    %get3A_37 = arith.constant 0 : index
    %get3A_38 = arith.constant 512 : index
    %get3A_39 = vector.load %arg2[%get3A_37, %get3A_38] : memref<1x8192xf32, #tpu.memory_space<vmem>>, vector<1x512xf32>
    %add3A_40 = vector.broadcast %get3A_39 : vector<1x512xf32> to vector<1024x512xf32>
    %add3A_41 = vector.broadcast %get3A_4 : vector<1024x1xf32> to vector<1024x512xf32>
    %add3A_42 = arith.addf %add3A_40, %add3A_41 : vector<1024x512xf32>
    %mul3A_43 = arith.constant 2.000000e+00 : f32
    %mul3A_44 = vector.broadcast %mul3A_43 : f32 to vector<1024x512xf32>
    %mul3A_45 = arith.mulf %dot_general3A_36, %mul3A_44 : vector<1024x512xf32>
    %sub3A_46 = arith.subf %add3A_42, %mul3A_45 : vector<1024x512xf32>
    %reduce_min3A_47 = arith.constant dense<0x7F800000> : vector<1024xf32>
    %reduce_min3A_48 = vector.multi_reduction <minimumf>, %sub3A_46, %reduce_min3A_47 [1] : vector<1024x512xf32> to vector<1024xf32>
    %broadcast_in_dim3A_49 = vector.shape_cast %reduce_min3A_48 : vector<1024xf32> to vector<1024x1xf32>
    %eq3A_50 = vector.broadcast %broadcast_in_dim3A_49 : vector<1024x1xf32> to vector<1024x512xf32>
    %eq3A_51 = arith.cmpf oeq, %sub3A_46, %eq3A_50 : vector<1024x512xf32>
    %jit3A_52 = arith.constant 8192 : i32
    %broadcast_in_dim3A_53 = vector.broadcast %jit3A_52 : i32 to vector<1024x512xi32>
    %select_n3A_54 = arith.select %eq3A_51, %iota3A, %broadcast_in_dim3A_53 : vector<1024x512xi1>, vector<1024x512xi32>
    %reduce_min3A_55 = arith.constant dense<2147483647> : vector<1024xi32>
    %reduce_min3A_56 = vector.multi_reduction <minsi>, %select_n3A_54, %reduce_min3A_55 [1] : vector<1024x512xi32> to vector<1024xi32>
    %add3A_57 = arith.constant 512 : i32
    %add3A_58 = vector.broadcast %add3A_57 : i32 to vector<1024xi32>
    %add3A_59 = arith.addi %reduce_min3A_56, %add3A_58 : vector<1024xi32>
    %squeeze3A_60 = vector.shape_cast %broadcast_in_dim3A_49 : vector<1024x1xf32> to vector<1024xf32>
    %lt3A_61 = arith.cmpf olt, %squeeze3A_60, %select_n3A_30 : vector<1024xf32>
    %select_n3A_62 = arith.select %lt3A_61, %add3A_59, %select_n3A_29 : vector<1024xi1>, vector<1024xi32>
    %select_n3A_63 = arith.select %lt3A_61, %squeeze3A_60, %select_n3A_30 : vector<1024xi1>, vector<1024xf32>
    %get3A_64 = arith.constant 1024 : index
    %get3A_65 = arith.constant 0 : index
    %get3A_66 = vector.load %arg4[%get3A_64, %get3A_65] : memref<8192x256xf32, #tpu.memory_space<vmem>>, vector<512x256xf32>
    %convert_element_type3A_67 = arith.truncf %get3A_66 : vector<512x256xf32> to vector<512x256xbf16>
    %dot_general3A_68 = arith.constant dense<0.000000e+00> : vector<1024x512xf32>
    %dot_general3A_69 = tpu.matmul %convert_element_type3A, %convert_element_type3A_67, %dot_general3A_68 {dimension_numbers = #tpu.dot_dimension_numbers<[1], [1], [0], [0], [0, 0, 1, 0], [], []>, transpose_lhs_hint = false} : vector<1024x256xbf16>, vector<512x256xbf16>, vector<1024x512xf32> -> vector<1024x512xf32>
    %get3A_70 = arith.constant 0 : index
    %get3A_71 = arith.constant 1024 : index
    %get3A_72 = vector.load %arg2[%get3A_70, %get3A_71] : memref<1x8192xf32, #tpu.memory_space<vmem>>, vector<1x512xf32>
    %add3A_73 = vector.broadcast %get3A_72 : vector<1x512xf32> to vector<1024x512xf32>
    %add3A_74 = vector.broadcast %get3A_4 : vector<1024x1xf32> to vector<1024x512xf32>
    %add3A_75 = arith.addf %add3A_73, %add3A_74 : vector<1024x512xf32>
    %mul3A_76 = arith.constant 2.000000e+00 : f32
    %mul3A_77 = vector.broadcast %mul3A_76 : f32 to vector<1024x512xf32>
    %mul3A_78 = arith.mulf %dot_general3A_69, %mul3A_77 : vector<1024x512xf32>
    %sub3A_79 = arith.subf %add3A_75, %mul3A_78 : vector<1024x512xf32>
    %reduce_min3A_80 = arith.constant dense<0x7F800000> : vector<1024xf32>
    %reduce_min3A_81 = vector.multi_reduction <minimumf>, %sub3A_79, %reduce_min3A_80 [1] : vector<1024x512xf32> to vector<1024xf32>
    %broadcast_in_dim3A_82 = vector.shape_cast %reduce_min3A_81 : vector<1024xf32> to vector<1024x1xf32>
    %eq3A_83 = vector.broadcast %broadcast_in_dim3A_82 : vector<1024x1xf32> to vector<1024x512xf32>
    %eq3A_84 = arith.cmpf oeq, %sub3A_79, %eq3A_83 : vector<1024x512xf32>
    %jit3A_85 = arith.constant 8192 : i32
    %broadcast_in_dim3A_86 = vector.broadcast %jit3A_85 : i32 to vector<1024x512xi32>
    %select_n3A_87 = arith.select %eq3A_84, %iota3A, %broadcast_in_dim3A_86 : vector<1024x512xi1>, vector<1024x512xi32>
    %reduce_min3A_88 = arith.constant dense<2147483647> : vector<1024xi32>
    %reduce_min3A_89 = vector.multi_reduction <minsi>, %select_n3A_87, %reduce_min3A_88 [1] : vector<1024x512xi32> to vector<1024xi32>
    %add3A_90 = arith.constant 1024 : i32
    %add3A_91 = vector.broadcast %add3A_90 : i32 to vector<1024xi32>
    %add3A_92 = arith.addi %reduce_min3A_89, %add3A_91 : vector<1024xi32>
    %squeeze3A_93 = vector.shape_cast %broadcast_in_dim3A_82 : vector<1024x1xf32> to vector<1024xf32>
    %lt3A_94 = arith.cmpf olt, %squeeze3A_93, %select_n3A_63 : vector<1024xf32>
    %select_n3A_95 = arith.select %lt3A_94, %add3A_92, %select_n3A_62 : vector<1024xi1>, vector<1024xi32>
    %select_n3A_96 = arith.select %lt3A_94, %squeeze3A_93, %select_n3A_63 : vector<1024xi1>, vector<1024xf32>
    %get3A_97 = arith.constant 1536 : index
    %get3A_98 = arith.constant 0 : index
    %get3A_99 = vector.load %arg4[%get3A_97, %get3A_98] : memref<8192x256xf32, #tpu.memory_space<vmem>>, vector<512x256xf32>
    %convert_element_type3A_100 = arith.truncf %get3A_99 : vector<512x256xf32> to vector<512x256xbf16>
    %dot_general3A_101 = arith.constant dense<0.000000e+00> : vector<1024x512xf32>
    %dot_general3A_102 = tpu.matmul %convert_element_type3A, %convert_element_type3A_100, %dot_general3A_101 {dimension_numbers = #tpu.dot_dimension_numbers<[1], [1], [0], [0], [0, 0, 1, 0], [], []>, transpose_lhs_hint = false} : vector<1024x256xbf16>, vector<512x256xbf16>, vector<1024x512xf32> -> vector<1024x512xf32>
    %get3A_103 = arith.constant 0 : index
    %get3A_104 = arith.constant 1536 : index
    %get3A_105 = vector.load %arg2[%get3A_103, %get3A_104] : memref<1x8192xf32, #tpu.memory_space<vmem>>, vector<1x512xf32>
    %add3A_106 = vector.broadcast %get3A_105 : vector<1x512xf32> to vector<1024x512xf32>
    %add3A_107 = vector.broadcast %get3A_4 : vector<1024x1xf32> to vector<1024x512xf32>
    %add3A_108 = arith.addf %add3A_106, %add3A_107 : vector<1024x512xf32>
    %mul3A_109 = arith.constant 2.000000e+00 : f32
    %mul3A_110 = vector.broadcast %mul3A_109 : f32 to vector<1024x512xf32>
    %mul3A_111 = arith.mulf %dot_general3A_102, %mul3A_110 : vector<1024x512xf32>
    %sub3A_112 = arith.subf %add3A_108, %mul3A_111 : vector<1024x512xf32>
    %reduce_min3A_113 = arith.constant dense<0x7F800000> : vector<1024xf32>
    %reduce_min3A_114 = vector.multi_reduction <minimumf>, %sub3A_112, %reduce_min3A_113 [1] : vector<1024x512xf32> to vector<1024xf32>
    %broadcast_in_dim3A_115 = vector.shape_cast %reduce_min3A_114 : vector<1024xf32> to vector<1024x1xf32>
    %eq3A_116 = vector.broadcast %broadcast_in_dim3A_115 : vector<1024x1xf32> to vector<1024x512xf32>
    %eq3A_117 = arith.cmpf oeq, %sub3A_112, %eq3A_116 : vector<1024x512xf32>
    %jit3A_118 = arith.constant 8192 : i32
    %broadcast_in_dim3A_119 = vector.broadcast %jit3A_118 : i32 to vector<1024x512xi32>
    %select_n3A_120 = arith.select %eq3A_117, %iota3A, %broadcast_in_dim3A_119 : vector<1024x512xi1>, vector<1024x512xi32>
    %reduce_min3A_121 = arith.constant dense<2147483647> : vector<1024xi32>
    %reduce_min3A_122 = vector.multi_reduction <minsi>, %select_n3A_120, %reduce_min3A_121 [1] : vector<1024x512xi32> to vector<1024xi32>
    %add3A_123 = arith.constant 1536 : i32
    %add3A_124 = vector.broadcast %add3A_123 : i32 to vector<1024xi32>
    %add3A_125 = arith.addi %reduce_min3A_122, %add3A_124 : vector<1024xi32>
    %squeeze3A_126 = vector.shape_cast %broadcast_in_dim3A_115 : vector<1024x1xf32> to vector<1024xf32>
    %lt3A_127 = arith.cmpf olt, %squeeze3A_126, %select_n3A_96 : vector<1024xf32>
    %select_n3A_128 = arith.select %lt3A_127, %add3A_125, %select_n3A_95 : vector<1024xi1>, vector<1024xi32>
    %select_n3A_129 = arith.select %lt3A_127, %squeeze3A_126, %select_n3A_96 : vector<1024xi1>, vector<1024xf32>
    %get3A_130 = arith.constant 2048 : index
    %get3A_131 = arith.constant 0 : index
    %get3A_132 = vector.load %arg4[%get3A_130, %get3A_131] : memref<8192x256xf32, #tpu.memory_space<vmem>>, vector<512x256xf32>
    %convert_element_type3A_133 = arith.truncf %get3A_132 : vector<512x256xf32> to vector<512x256xbf16>
    %dot_general3A_134 = arith.constant dense<0.000000e+00> : vector<1024x512xf32>
    %dot_general3A_135 = tpu.matmul %convert_element_type3A, %convert_element_type3A_133, %dot_general3A_134 {dimension_numbers = #tpu.dot_dimension_numbers<[1], [1], [0], [0], [0, 0, 1, 0], [], []>, transpose_lhs_hint = false} : vector<1024x256xbf16>, vector<512x256xbf16>, vector<1024x512xf32> -> vector<1024x512xf32>
    %get3A_136 = arith.constant 0 : index
    %get3A_137 = arith.constant 2048 : index
    %get3A_138 = vector.load %arg2[%get3A_136, %get3A_137] : memref<1x8192xf32, #tpu.memory_space<vmem>>, vector<1x512xf32>
    %add3A_139 = vector.broadcast %get3A_138 : vector<1x512xf32> to vector<1024x512xf32>
    %add3A_140 = vector.broadcast %get3A_4 : vector<1024x1xf32> to vector<1024x512xf32>
    %add3A_141 = arith.addf %add3A_139, %add3A_140 : vector<1024x512xf32>
    %mul3A_142 = arith.constant 2.000000e+00 : f32
    %mul3A_143 = vector.broadcast %mul3A_142 : f32 to vector<1024x512xf32>
    %mul3A_144 = arith.mulf %dot_general3A_135, %mul3A_143 : vector<1024x512xf32>
    %sub3A_145 = arith.subf %add3A_141, %mul3A_144 : vector<1024x512xf32>
    %reduce_min3A_146 = arith.constant dense<0x7F800000> : vector<1024xf32>
    %reduce_min3A_147 = vector.multi_reduction <minimumf>, %sub3A_145, %reduce_min3A_146 [1] : vector<1024x512xf32> to vector<1024xf32>
    %broadcast_in_dim3A_148 = vector.shape_cast %reduce_min3A_147 : vector<1024xf32> to vector<1024x1xf32>
    %eq3A_149 = vector.broadcast %broadcast_in_dim3A_148 : vector<1024x1xf32> to vector<1024x512xf32>
    %eq3A_150 = arith.cmpf oeq, %sub3A_145, %eq3A_149 : vector<1024x512xf32>
    %jit3A_151 = arith.constant 8192 : i32
    %broadcast_in_dim3A_152 = vector.broadcast %jit3A_151 : i32 to vector<1024x512xi32>
    %select_n3A_153 = arith.select %eq3A_150, %iota3A, %broadcast_in_dim3A_152 : vector<1024x512xi1>, vector<1024x512xi32>
    %reduce_min3A_154 = arith.constant dense<2147483647> : vector<1024xi32>
    %reduce_min3A_155 = vector.multi_reduction <minsi>, %select_n3A_153, %reduce_min3A_154 [1] : vector<1024x512xi32> to vector<1024xi32>
    %add3A_156 = arith.constant 2048 : i32
    %add3A_157 = vector.broadcast %add3A_156 : i32 to vector<1024xi32>
    %add3A_158 = arith.addi %reduce_min3A_155, %add3A_157 : vector<1024xi32>
    %squeeze3A_159 = vector.shape_cast %broadcast_in_dim3A_148 : vector<1024x1xf32> to vector<1024xf32>
    %lt3A_160 = arith.cmpf olt, %squeeze3A_159, %select_n3A_129 : vector<1024xf32>
    %select_n3A_161 = arith.select %lt3A_160, %add3A_158, %select_n3A_128 : vector<1024xi1>, vector<1024xi32>
    %select_n3A_162 = arith.select %lt3A_160, %squeeze3A_159, %select_n3A_129 : vector<1024xi1>, vector<1024xf32>
    %get3A_163 = arith.constant 2560 : index
    %get3A_164 = arith.constant 0 : index
    %get3A_165 = vector.load %arg4[%get3A_163, %get3A_164] : memref<8192x256xf32, #tpu.memory_space<vmem>>, vector<512x256xf32>
    %convert_element_type3A_166 = arith.truncf %get3A_165 : vector<512x256xf32> to vector<512x256xbf16>
    %dot_general3A_167 = arith.constant dense<0.000000e+00> : vector<1024x512xf32>
    %dot_general3A_168 = tpu.matmul %convert_element_type3A, %convert_element_type3A_166, %dot_general3A_167 {dimension_numbers = #tpu.dot_dimension_numbers<[1], [1], [0], [0], [0, 0, 1, 0], [], []>, transpose_lhs_hint = false} : vector<1024x256xbf16>, vector<512x256xbf16>, vector<1024x512xf32> -> vector<1024x512xf32>
    %get3A_169 = arith.constant 0 : index
    %get3A_170 = arith.constant 2560 : index
    %get3A_171 = vector.load %arg2[%get3A_169, %get3A_170] : memref<1x8192xf32, #tpu.memory_space<vmem>>, vector<1x512xf32>
    %add3A_172 = vector.broadcast %get3A_171 : vector<1x512xf32> to vector<1024x512xf32>
    %add3A_173 = vector.broadcast %get3A_4 : vector<1024x1xf32> to vector<1024x512xf32>
    %add3A_174 = arith.addf %add3A_172, %add3A_173 : vector<1024x512xf32>
    %mul3A_175 = arith.constant 2.000000e+00 : f32
    %mul3A_176 = vector.broadcast %mul3A_175 : f32 to vector<1024x512xf32>
    %mul3A_177 = arith.mulf %dot_general3A_168, %mul3A_176 : vector<1024x512xf32>
    %sub3A_178 = arith.subf %add3A_174, %mul3A_177 : vector<1024x512xf32>
    %ge3A = arith.constant -2560 : i32
    %ge3A_179 = vector.broadcast %ge3A : i32 to vector<1024x512xi32>
    %ge3A_180 = arith.cmpi sge, %iota3A, %ge3A_179 : vector<1024x512xi32>
    %lt3A_181 = arith.constant 176 : i32
    %lt3A_182 = vector.broadcast %lt3A_181 : i32 to vector<1024x512xi32>
    %lt3A_183 = arith.cmpi slt, %iota3A, %lt3A_182 : vector<1024x512xi32>
    %and3A = arith.andi %ge3A_180, %lt3A_183 : vector<1024x512xi1>
    %jit3A_184 = arith.constant 0x7F800000 : f32
    %broadcast_in_dim3A_185 = vector.broadcast %jit3A_184 : f32 to vector<1024x512xf32>
    %select_n3A_186 = arith.select %and3A, %sub3A_178, %broadcast_in_dim3A_185 : vector<1024x512xi1>, vector<1024x512xf32>
    %reduce_min3A_187 = arith.constant dense<0x7F800000> : vector<1024xf32>
    %reduce_min3A_188 = vector.multi_reduction <minimumf>, %select_n3A_186, %reduce_min3A_187 [1] : vector<1024x512xf32> to vector<1024xf32>
    %broadcast_in_dim3A_189 = vector.shape_cast %reduce_min3A_188 : vector<1024xf32> to vector<1024x1xf32>
    %eq3A_190 = vector.broadcast %broadcast_in_dim3A_189 : vector<1024x1xf32> to vector<1024x512xf32>
    %eq3A_191 = arith.cmpf oeq, %select_n3A_186, %eq3A_190 : vector<1024x512xf32>
    %jit3A_192 = arith.constant 8192 : i32
    %broadcast_in_dim3A_193 = vector.broadcast %jit3A_192 : i32 to vector<1024x512xi32>
    %select_n3A_194 = arith.select %eq3A_191, %iota3A, %broadcast_in_dim3A_193 : vector<1024x512xi1>, vector<1024x512xi32>
    %reduce_min3A_195 = arith.constant dense<2147483647> : vector<1024xi32>
    %reduce_min3A_196 = vector.multi_reduction <minsi>, %select_n3A_194, %reduce_min3A_195 [1] : vector<1024x512xi32> to vector<1024xi32>
    %add3A_197 = arith.constant 2560 : i32
    %add3A_198 = vector.broadcast %add3A_197 : i32 to vector<1024xi32>
    %add3A_199 = arith.addi %reduce_min3A_196, %add3A_198 : vector<1024xi32>
    %squeeze3A_200 = vector.shape_cast %broadcast_in_dim3A_189 : vector<1024x1xf32> to vector<1024xf32>
    %lt3A_201 = arith.cmpf olt, %squeeze3A_200, %select_n3A_162 : vector<1024xf32>
    %select_n3A_202 = arith.select %lt3A_201, %add3A_199, %select_n3A_161 : vector<1024xi1>, vector<1024xi32>
    %select_n3A_203 = arith.select %lt3A_201, %squeeze3A_200, %select_n3A_162 : vector<1024xi1>, vector<1024xf32>
    %ge3A_204 = arith.constant 176 : i32
    %ge3A_205 = vector.broadcast %ge3A_204 : i32 to vector<1024x512xi32>
    %ge3A_206 = arith.cmpi sge, %iota3A, %ge3A_205 : vector<1024x512xi32>
    %lt3A_207 = arith.constant 2912 : i32
    %lt3A_208 = vector.broadcast %lt3A_207 : i32 to vector<1024x512xi32>
    %lt3A_209 = arith.cmpi slt, %iota3A, %lt3A_208 : vector<1024x512xi32>
    %and3A_210 = arith.andi %ge3A_206, %lt3A_209 : vector<1024x512xi1>
    %jit3A_211 = arith.constant 0x7F800000 : f32
    %broadcast_in_dim3A_212 = vector.broadcast %jit3A_211 : f32 to vector<1024x512xf32>
    %select_n3A_213 = arith.select %and3A_210, %sub3A_178, %broadcast_in_dim3A_212 : vector<1024x512xi1>, vector<1024x512xf32>
    %reduce_min3A_214 = arith.constant dense<0x7F800000> : vector<1024xf32>
    %reduce_min3A_215 = vector.multi_reduction <minimumf>, %select_n3A_213, %reduce_min3A_214 [1] : vector<1024x512xf32> to vector<1024xf32>
    %broadcast_in_dim3A_216 = vector.shape_cast %reduce_min3A_215 : vector<1024xf32> to vector<1024x1xf32>
    %eq3A_217 = vector.broadcast %broadcast_in_dim3A_216 : vector<1024x1xf32> to vector<1024x512xf32>
    %eq3A_218 = arith.cmpf oeq, %select_n3A_213, %eq3A_217 : vector<1024x512xf32>
    %jit3A_219 = arith.constant 8192 : i32
    %broadcast_in_dim3A_220 = vector.broadcast %jit3A_219 : i32 to vector<1024x512xi32>
    %select_n3A_221 = arith.select %eq3A_218, %iota3A, %broadcast_in_dim3A_220 : vector<1024x512xi1>, vector<1024x512xi32>
    %reduce_min3A_222 = arith.constant dense<2147483647> : vector<1024xi32>
    %reduce_min3A_223 = vector.multi_reduction <minsi>, %select_n3A_221, %reduce_min3A_222 [1] : vector<1024x512xi32> to vector<1024xi32>
    %add3A_224 = arith.constant 2560 : i32
    %add3A_225 = vector.broadcast %add3A_224 : i32 to vector<1024xi32>
    %add3A_226 = arith.addi %reduce_min3A_223, %add3A_225 : vector<1024xi32>
    %squeeze3A_227 = vector.shape_cast %broadcast_in_dim3A_216 : vector<1024x1xf32> to vector<1024xf32>
    %lt3A_228 = arith.cmpf olt, %squeeze3A_227, %broadcast_in_dim3A_5 : vector<1024xf32>
    %select_n3A_229 = arith.select %lt3A_228, %add3A_226, %broadcast_in_dim3A_7 : vector<1024xi1>, vector<1024xi32>
    %select_n3A_230 = arith.select %lt3A_228, %squeeze3A_227, %broadcast_in_dim3A_5 : vector<1024xi1>, vector<1024xf32>
    %get3A_231 = arith.constant 3072 : index
    %get3A_232 = arith.constant 0 : index
    %get3A_233 = vector.load %arg4[%get3A_231, %get3A_232] : memref<8192x256xf32, #tpu.memory_space<vmem>>, vector<512x256xf32>
    %convert_element_type3A_234 = arith.truncf %get3A_233 : vector<512x256xf32> to vector<512x256xbf16>
    %dot_general3A_235 = arith.constant dense<0.000000e+00> : vector<1024x512xf32>
    %dot_general3A_236 = tpu.matmul %convert_element_type3A, %convert_element_type3A_234, %dot_general3A_235 {dimension_numbers = #tpu.dot_dimension_numbers<[1], [1], [0], [0], [0, 0, 1, 0], [], []>, transpose_lhs_hint = false} : vector<1024x256xbf16>, vector<512x256xbf16>, vector<1024x512xf32> -> vector<1024x512xf32>
    %get3A_237 = arith.constant 0 : index
    %get3A_238 = arith.constant 3072 : index
    %get3A_239 = vector.load %arg2[%get3A_237, %get3A_238] : memref<1x8192xf32, #tpu.memory_space<vmem>>, vector<1x512xf32>
    %add3A_240 = vector.broadcast %get3A_239 : vector<1x512xf32> to vector<1024x512xf32>
    %add3A_241 = vector.broadcast %get3A_4 : vector<1024x1xf32> to vector<1024x512xf32>
    %add3A_242 = arith.addf %add3A_240, %add3A_241 : vector<1024x512xf32>
    %mul3A_243 = arith.constant 2.000000e+00 : f32
    %mul3A_244 = vector.broadcast %mul3A_243 : f32 to vector<1024x512xf32>
    %mul3A_245 = arith.mulf %dot_general3A_236, %mul3A_244 : vector<1024x512xf32>
    %sub3A_246 = arith.subf %add3A_242, %mul3A_245 : vector<1024x512xf32>
    %reduce_min3A_247 = arith.constant dense<0x7F800000> : vector<1024xf32>
    %reduce_min3A_248 = vector.multi_reduction <minimumf>, %sub3A_246, %reduce_min3A_247 [1] : vector<1024x512xf32> to vector<1024xf32>
    %broadcast_in_dim3A_249 = vector.shape_cast %reduce_min3A_248 : vector<1024xf32> to vector<1024x1xf32>
    %eq3A_250 = vector.broadcast %broadcast_in_dim3A_249 : vector<1024x1xf32> to vector<1024x512xf32>
    %eq3A_251 = arith.cmpf oeq, %sub3A_246, %eq3A_250 : vector<1024x512xf32>
    %jit3A_252 = arith.constant 8192 : i32
    %broadcast_in_dim3A_253 = vector.broadcast %jit3A_252 : i32 to vector<1024x512xi32>
    %select_n3A_254 = arith.select %eq3A_251, %iota3A, %broadcast_in_dim3A_253 : vector<1024x512xi1>, vector<1024x512xi32>
    %reduce_min3A_255 = arith.constant dense<2147483647> : vector<1024xi32>
    %reduce_min3A_256 = vector.multi_reduction <minsi>, %select_n3A_254, %reduce_min3A_255 [1] : vector<1024x512xi32> to vector<1024xi32>
    %add3A_257 = arith.constant 3072 : i32
    %add3A_258 = vector.broadcast %add3A_257 : i32 to vector<1024xi32>
    %add3A_259 = arith.addi %reduce_min3A_256, %add3A_258 : vector<1024xi32>
    %squeeze3A_260 = vector.shape_cast %broadcast_in_dim3A_249 : vector<1024x1xf32> to vector<1024xf32>
    %lt3A_261 = arith.cmpf olt, %squeeze3A_260, %select_n3A_230 : vector<1024xf32>
    %select_n3A_262 = arith.select %lt3A_261, %add3A_259, %select_n3A_229 : vector<1024xi1>, vector<1024xi32>
    %select_n3A_263 = arith.select %lt3A_261, %squeeze3A_260, %select_n3A_230 : vector<1024xi1>, vector<1024xf32>
    %get3A_264 = arith.constant 3584 : index
    %get3A_265 = arith.constant 0 : index
    %get3A_266 = vector.load %arg4[%get3A_264, %get3A_265] : memref<8192x256xf32, #tpu.memory_space<vmem>>, vector<512x256xf32>
    %convert_element_type3A_267 = arith.truncf %get3A_266 : vector<512x256xf32> to vector<512x256xbf16>
    %dot_general3A_268 = arith.constant dense<0.000000e+00> : vector<1024x512xf32>
    %dot_general3A_269 = tpu.matmul %convert_element_type3A, %convert_element_type3A_267, %dot_general3A_268 {dimension_numbers = #tpu.dot_dimension_numbers<[1], [1], [0], [0], [0, 0, 1, 0], [], []>, transpose_lhs_hint = false} : vector<1024x256xbf16>, vector<512x256xbf16>, vector<1024x512xf32> -> vector<1024x512xf32>
    %get3A_270 = arith.constant 0 : index
    %get3A_271 = arith.constant 3584 : index
    %get3A_272 = vector.load %arg2[%get3A_270, %get3A_271] : memref<1x8192xf32, #tpu.memory_space<vmem>>, vector<1x512xf32>
    %add3A_273 = vector.broadcast %get3A_272 : vector<1x512xf32> to vector<1024x512xf32>
    %add3A_274 = vector.broadcast %get3A_4 : vector<1024x1xf32> to vector<1024x512xf32>
    %add3A_275 = arith.addf %add3A_273, %add3A_274 : vector<1024x512xf32>
    %mul3A_276 = arith.constant 2.000000e+00 : f32
    %mul3A_277 = vector.broadcast %mul3A_276 : f32 to vector<1024x512xf32>
    %mul3A_278 = arith.mulf %dot_general3A_269, %mul3A_277 : vector<1024x512xf32>
    %sub3A_279 = arith.subf %add3A_275, %mul3A_278 : vector<1024x512xf32>
    %reduce_min3A_280 = arith.constant dense<0x7F800000> : vector<1024xf32>
    %reduce_min3A_281 = vector.multi_reduction <minimumf>, %sub3A_279, %reduce_min3A_280 [1] : vector<1024x512xf32> to vector<1024xf32>
    %broadcast_in_dim3A_282 = vector.shape_cast %reduce_min3A_281 : vector<1024xf32> to vector<1024x1xf32>
    %eq3A_283 = vector.broadcast %broadcast_in_dim3A_282 : vector<1024x1xf32> to vector<1024x512xf32>
    %eq3A_284 = arith.cmpf oeq, %sub3A_279, %eq3A_283 : vector<1024x512xf32>
    %jit3A_285 = arith.constant 8192 : i32
    %broadcast_in_dim3A_286 = vector.broadcast %jit3A_285 : i32 to vector<1024x512xi32>
    %select_n3A_287 = arith.select %eq3A_284, %iota3A, %broadcast_in_dim3A_286 : vector<1024x512xi1>, vector<1024x512xi32>
    %reduce_min3A_288 = arith.constant dense<2147483647> : vector<1024xi32>
    %reduce_min3A_289 = vector.multi_reduction <minsi>, %select_n3A_287, %reduce_min3A_288 [1] : vector<1024x512xi32> to vector<1024xi32>
    %add3A_290 = arith.constant 3584 : i32
    %add3A_291 = vector.broadcast %add3A_290 : i32 to vector<1024xi32>
    %add3A_292 = arith.addi %reduce_min3A_289, %add3A_291 : vector<1024xi32>
    %squeeze3A_293 = vector.shape_cast %broadcast_in_dim3A_282 : vector<1024x1xf32> to vector<1024xf32>
    %lt3A_294 = arith.cmpf olt, %squeeze3A_293, %select_n3A_263 : vector<1024xf32>
    %select_n3A_295 = arith.select %lt3A_294, %add3A_292, %select_n3A_262 : vector<1024xi1>, vector<1024xi32>
    %select_n3A_296 = arith.select %lt3A_294, %squeeze3A_293, %select_n3A_263 : vector<1024xi1>, vector<1024xf32>
    %get3A_297 = arith.constant 4096 : index
    %get3A_298 = arith.constant 0 : index
    %get3A_299 = vector.load %arg4[%get3A_297, %get3A_298] : memref<8192x256xf32, #tpu.memory_space<vmem>>, vector<512x256xf32>
    %convert_element_type3A_300 = arith.truncf %get3A_299 : vector<512x256xf32> to vector<512x256xbf16>
    %dot_general3A_301 = arith.constant dense<0.000000e+00> : vector<1024x512xf32>
    %dot_general3A_302 = tpu.matmul %convert_element_type3A, %convert_element_type3A_300, %dot_general3A_301 {dimension_numbers = #tpu.dot_dimension_numbers<[1], [1], [0], [0], [0, 0, 1, 0], [], []>, transpose_lhs_hint = false} : vector<1024x256xbf16>, vector<512x256xbf16>, vector<1024x512xf32> -> vector<1024x512xf32>
    %get3A_303 = arith.constant 0 : index
    %get3A_304 = arith.constant 4096 : index
    %get3A_305 = vector.load %arg2[%get3A_303, %get3A_304] : memref<1x8192xf32, #tpu.memory_space<vmem>>, vector<1x512xf32>
    %add3A_306 = vector.broadcast %get3A_305 : vector<1x512xf32> to vector<1024x512xf32>
    %add3A_307 = vector.broadcast %get3A_4 : vector<1024x1xf32> to vector<1024x512xf32>
    %add3A_308 = arith.addf %add3A_306, %add3A_307 : vector<1024x512xf32>
    %mul3A_309 = arith.constant 2.000000e+00 : f32
    %mul3A_310 = vector.broadcast %mul3A_309 : f32 to vector<1024x512xf32>
    %mul3A_311 = arith.mulf %dot_general3A_302, %mul3A_310 : vector<1024x512xf32>
    %sub3A_312 = arith.subf %add3A_308, %mul3A_311 : vector<1024x512xf32>
    %reduce_min3A_313 = arith.constant dense<0x7F800000> : vector<1024xf32>
    %reduce_min3A_314 = vector.multi_reduction <minimumf>, %sub3A_312, %reduce_min3A_313 [1] : vector<1024x512xf32> to vector<1024xf32>
    %broadcast_in_dim3A_315 = vector.shape_cast %reduce_min3A_314 : vector<1024xf32> to vector<1024x1xf32>
    %eq3A_316 = vector.broadcast %broadcast_in_dim3A_315 : vector<1024x1xf32> to vector<1024x512xf32>
    %eq3A_317 = arith.cmpf oeq, %sub3A_312, %eq3A_316 : vector<1024x512xf32>
    %jit3A_318 = arith.constant 8192 : i32
    %broadcast_in_dim3A_319 = vector.broadcast %jit3A_318 : i32 to vector<1024x512xi32>
    %select_n3A_320 = arith.select %eq3A_317, %iota3A, %broadcast_in_dim3A_319 : vector<1024x512xi1>, vector<1024x512xi32>
    %reduce_min3A_321 = arith.constant dense<2147483647> : vector<1024xi32>
    %reduce_min3A_322 = vector.multi_reduction <minsi>, %select_n3A_320, %reduce_min3A_321 [1] : vector<1024x512xi32> to vector<1024xi32>
    %add3A_323 = arith.constant 4096 : i32
    %add3A_324 = vector.broadcast %add3A_323 : i32 to vector<1024xi32>
    %add3A_325 = arith.addi %reduce_min3A_322, %add3A_324 : vector<1024xi32>
    %squeeze3A_326 = vector.shape_cast %broadcast_in_dim3A_315 : vector<1024x1xf32> to vector<1024xf32>
    %lt3A_327 = arith.cmpf olt, %squeeze3A_326, %select_n3A_296 : vector<1024xf32>
    %select_n3A_328 = arith.select %lt3A_327, %add3A_325, %select_n3A_295 : vector<1024xi1>, vector<1024xi32>
    %select_n3A_329 = arith.select %lt3A_327, %squeeze3A_326, %select_n3A_296 : vector<1024xi1>, vector<1024xf32>
    %get3A_330 = arith.constant 4608 : index
    %get3A_331 = arith.constant 0 : index
    %get3A_332 = vector.load %arg4[%get3A_330, %get3A_331] : memref<8192x256xf32, #tpu.memory_space<vmem>>, vector<512x256xf32>
    %convert_element_type3A_333 = arith.truncf %get3A_332 : vector<512x256xf32> to vector<512x256xbf16>
    %dot_general3A_334 = arith.constant dense<0.000000e+00> : vector<1024x512xf32>
    %dot_general3A_335 = tpu.matmul %convert_element_type3A, %convert_element_type3A_333, %dot_general3A_334 {dimension_numbers = #tpu.dot_dimension_numbers<[1], [1], [0], [0], [0, 0, 1, 0], [], []>, transpose_lhs_hint = false} : vector<1024x256xbf16>, vector<512x256xbf16>, vector<1024x512xf32> -> vector<1024x512xf32>
    %get3A_336 = arith.constant 0 : index
    %get3A_337 = arith.constant 4608 : index
    %get3A_338 = vector.load %arg2[%get3A_336, %get3A_337] : memref<1x8192xf32, #tpu.memory_space<vmem>>, vector<1x512xf32>
    %add3A_339 = vector.broadcast %get3A_338 : vector<1x512xf32> to vector<1024x512xf32>
    %add3A_340 = vector.broadcast %get3A_4 : vector<1024x1xf32> to vector<1024x512xf32>
    %add3A_341 = arith.addf %add3A_339, %add3A_340 : vector<1024x512xf32>
    %mul3A_342 = arith.constant 2.000000e+00 : f32
    %mul3A_343 = vector.broadcast %mul3A_342 : f32 to vector<1024x512xf32>
    %mul3A_344 = arith.mulf %dot_general3A_335, %mul3A_343 : vector<1024x512xf32>
    %sub3A_345 = arith.subf %add3A_341, %mul3A_344 : vector<1024x512xf32>
    %reduce_min3A_346 = arith.constant dense<0x7F800000> : vector<1024xf32>
    %reduce_min3A_347 = vector.multi_reduction <minimumf>, %sub3A_345, %reduce_min3A_346 [1] : vector<1024x512xf32> to vector<1024xf32>
    %broadcast_in_dim3A_348 = vector.shape_cast %reduce_min3A_347 : vector<1024xf32> to vector<1024x1xf32>
    %eq3A_349 = vector.broadcast %broadcast_in_dim3A_348 : vector<1024x1xf32> to vector<1024x512xf32>
    %eq3A_350 = arith.cmpf oeq, %sub3A_345, %eq3A_349 : vector<1024x512xf32>
    %jit3A_351 = arith.constant 8192 : i32
    %broadcast_in_dim3A_352 = vector.broadcast %jit3A_351 : i32 to vector<1024x512xi32>
    %select_n3A_353 = arith.select %eq3A_350, %iota3A, %broadcast_in_dim3A_352 : vector<1024x512xi1>, vector<1024x512xi32>
    %reduce_min3A_354 = arith.constant dense<2147483647> : vector<1024xi32>
    %reduce_min3A_355 = vector.multi_reduction <minsi>, %select_n3A_353, %reduce_min3A_354 [1] : vector<1024x512xi32> to vector<1024xi32>
    %add3A_356 = arith.constant 4608 : i32
    %add3A_357 = vector.broadcast %add3A_356 : i32 to vector<1024xi32>
    %add3A_358 = arith.addi %reduce_min3A_355, %add3A_357 : vector<1024xi32>
    %squeeze3A_359 = vector.shape_cast %broadcast_in_dim3A_348 : vector<1024x1xf32> to vector<1024xf32>
    %lt3A_360 = arith.cmpf olt, %squeeze3A_359, %select_n3A_329 : vector<1024xf32>
    %select_n3A_361 = arith.select %lt3A_360, %add3A_358, %select_n3A_328 : vector<1024xi1>, vector<1024xi32>
    %select_n3A_362 = arith.select %lt3A_360, %squeeze3A_359, %select_n3A_329 : vector<1024xi1>, vector<1024xf32>
    %get3A_363 = arith.constant 5120 : index
    %get3A_364 = arith.constant 0 : index
    %get3A_365 = vector.load %arg4[%get3A_363, %get3A_364] : memref<8192x256xf32, #tpu.memory_space<vmem>>, vector<512x256xf32>
    %convert_element_type3A_366 = arith.truncf %get3A_365 : vector<512x256xf32> to vector<512x256xbf16>
    %dot_general3A_367 = arith.constant dense<0.000000e+00> : vector<1024x512xf32>
    %dot_general3A_368 = tpu.matmul %convert_element_type3A, %convert_element_type3A_366, %dot_general3A_367 {dimension_numbers = #tpu.dot_dimension_numbers<[1], [1], [0], [0], [0, 0, 1, 0], [], []>, transpose_lhs_hint = false} : vector<1024x256xbf16>, vector<512x256xbf16>, vector<1024x512xf32> -> vector<1024x512xf32>
    %get3A_369 = arith.constant 0 : index
    %get3A_370 = arith.constant 5120 : index
    %get3A_371 = vector.load %arg2[%get3A_369, %get3A_370] : memref<1x8192xf32, #tpu.memory_space<vmem>>, vector<1x512xf32>
    %add3A_372 = vector.broadcast %get3A_371 : vector<1x512xf32> to vector<1024x512xf32>
    %add3A_373 = vector.broadcast %get3A_4 : vector<1024x1xf32> to vector<1024x512xf32>
    %add3A_374 = arith.addf %add3A_372, %add3A_373 : vector<1024x512xf32>
    %mul3A_375 = arith.constant 2.000000e+00 : f32
    %mul3A_376 = vector.broadcast %mul3A_375 : f32 to vector<1024x512xf32>
    %mul3A_377 = arith.mulf %dot_general3A_368, %mul3A_376 : vector<1024x512xf32>
    %sub3A_378 = arith.subf %add3A_374, %mul3A_377 : vector<1024x512xf32>
    %ge3A_379 = arith.constant -2384 : i32
    %ge3A_380 = vector.broadcast %ge3A_379 : i32 to vector<1024x512xi32>
    %ge3A_381 = arith.cmpi sge, %iota3A, %ge3A_380 : vector<1024x512xi32>
    %lt3A_382 = arith.constant 352 : i32
    %lt3A_383 = vector.broadcast %lt3A_382 : i32 to vector<1024x512xi32>
    %lt3A_384 = arith.cmpi slt, %iota3A, %lt3A_383 : vector<1024x512xi32>
    %and3A_385 = arith.andi %ge3A_381, %lt3A_384 : vector<1024x512xi1>
    %jit3A_386 = arith.constant 0x7F800000 : f32
    %broadcast_in_dim3A_387 = vector.broadcast %jit3A_386 : f32 to vector<1024x512xf32>
    %select_n3A_388 = arith.select %and3A_385, %sub3A_378, %broadcast_in_dim3A_387 : vector<1024x512xi1>, vector<1024x512xf32>
    %reduce_min3A_389 = arith.constant dense<0x7F800000> : vector<1024xf32>
    %reduce_min3A_390 = vector.multi_reduction <minimumf>, %select_n3A_388, %reduce_min3A_389 [1] : vector<1024x512xf32> to vector<1024xf32>
    %broadcast_in_dim3A_391 = vector.shape_cast %reduce_min3A_390 : vector<1024xf32> to vector<1024x1xf32>
    %eq3A_392 = vector.broadcast %broadcast_in_dim3A_391 : vector<1024x1xf32> to vector<1024x512xf32>
    %eq3A_393 = arith.cmpf oeq, %select_n3A_388, %eq3A_392 : vector<1024x512xf32>
    %jit3A_394 = arith.constant 8192 : i32
    %broadcast_in_dim3A_395 = vector.broadcast %jit3A_394 : i32 to vector<1024x512xi32>
    %select_n3A_396 = arith.select %eq3A_393, %iota3A, %broadcast_in_dim3A_395 : vector<1024x512xi1>, vector<1024x512xi32>
    %reduce_min3A_397 = arith.constant dense<2147483647> : vector<1024xi32>
    %reduce_min3A_398 = vector.multi_reduction <minsi>, %select_n3A_396, %reduce_min3A_397 [1] : vector<1024x512xi32> to vector<1024xi32>
    %add3A_399 = arith.constant 5120 : i32
    %add3A_400 = vector.broadcast %add3A_399 : i32 to vector<1024xi32>
    %add3A_401 = arith.addi %reduce_min3A_398, %add3A_400 : vector<1024xi32>
    %squeeze3A_402 = vector.shape_cast %broadcast_in_dim3A_391 : vector<1024x1xf32> to vector<1024xf32>
    %lt3A_403 = arith.cmpf olt, %squeeze3A_402, %select_n3A_362 : vector<1024xf32>
    %select_n3A_404 = arith.select %lt3A_403, %add3A_401, %select_n3A_361 : vector<1024xi1>, vector<1024xi32>
    %select_n3A_405 = arith.select %lt3A_403, %squeeze3A_402, %select_n3A_362 : vector<1024xi1>, vector<1024xf32>
    %ge3A_406 = arith.constant 352 : i32
    %ge3A_407 = vector.broadcast %ge3A_406 : i32 to vector<1024x512xi32>
    %ge3A_408 = arith.cmpi sge, %iota3A, %ge3A_407 : vector<1024x512xi32>
    %lt3A_409 = arith.constant 3072 : i32
    %lt3A_410 = vector.broadcast %lt3A_409 : i32 to vector<1024x512xi32>
    %lt3A_411 = arith.cmpi slt, %iota3A, %lt3A_410 : vector<1024x512xi32>
    %and3A_412 = arith.andi %ge3A_408, %lt3A_411 : vector<1024x512xi1>
    %jit3A_413 = arith.constant 0x7F800000 : f32
    %broadcast_in_dim3A_414 = vector.broadcast %jit3A_413 : f32 to vector<1024x512xf32>
    %select_n3A_415 = arith.select %and3A_412, %sub3A_378, %broadcast_in_dim3A_414 : vector<1024x512xi1>, vector<1024x512xf32>
    %reduce_min3A_416 = arith.constant dense<0x7F800000> : vector<1024xf32>
    %reduce_min3A_417 = vector.multi_reduction <minimumf>, %select_n3A_415, %reduce_min3A_416 [1] : vector<1024x512xf32> to vector<1024xf32>
    %broadcast_in_dim3A_418 = vector.shape_cast %reduce_min3A_417 : vector<1024xf32> to vector<1024x1xf32>
    %eq3A_419 = vector.broadcast %broadcast_in_dim3A_418 : vector<1024x1xf32> to vector<1024x512xf32>
    %eq3A_420 = arith.cmpf oeq, %select_n3A_415, %eq3A_419 : vector<1024x512xf32>
    %jit3A_421 = arith.constant 8192 : i32
    %broadcast_in_dim3A_422 = vector.broadcast %jit3A_421 : i32 to vector<1024x512xi32>
    %select_n3A_423 = arith.select %eq3A_420, %iota3A, %broadcast_in_dim3A_422 : vector<1024x512xi1>, vector<1024x512xi32>
    %reduce_min3A_424 = arith.constant dense<2147483647> : vector<1024xi32>
    %reduce_min3A_425 = vector.multi_reduction <minsi>, %select_n3A_423, %reduce_min3A_424 [1] : vector<1024x512xi32> to vector<1024xi32>
    %add3A_426 = arith.constant 5120 : i32
    %add3A_427 = vector.broadcast %add3A_426 : i32 to vector<1024xi32>
    %add3A_428 = arith.addi %reduce_min3A_425, %add3A_427 : vector<1024xi32>
    %squeeze3A_429 = vector.shape_cast %broadcast_in_dim3A_418 : vector<1024x1xf32> to vector<1024xf32>
    %lt3A_430 = arith.cmpf olt, %squeeze3A_429, %broadcast_in_dim3A_5 : vector<1024xf32>
    %select_n3A_431 = arith.select %lt3A_430, %add3A_428, %broadcast_in_dim3A_7 : vector<1024xi1>, vector<1024xi32>
    %select_n3A_432 = arith.select %lt3A_430, %squeeze3A_429, %broadcast_in_dim3A_5 : vector<1024xi1>, vector<1024xf32>
    %get3A_433 = arith.constant 5632 : index
    %get3A_434 = arith.constant 0 : index
    %get3A_435 = vector.load %arg4[%get3A_433, %get3A_434] : memref<8192x256xf32, #tpu.memory_space<vmem>>, vector<512x256xf32>
    %convert_element_type3A_436 = arith.truncf %get3A_435 : vector<512x256xf32> to vector<512x256xbf16>
    %dot_general3A_437 = arith.constant dense<0.000000e+00> : vector<1024x512xf32>
    %dot_general3A_438 = tpu.matmul %convert_element_type3A, %convert_element_type3A_436, %dot_general3A_437 {dimension_numbers = #tpu.dot_dimension_numbers<[1], [1], [0], [0], [0, 0, 1, 0], [], []>, transpose_lhs_hint = false} : vector<1024x256xbf16>, vector<512x256xbf16>, vector<1024x512xf32> -> vector<1024x512xf32>
    %get3A_439 = arith.constant 0 : index
    %get3A_440 = arith.constant 5632 : index
    %get3A_441 = vector.load %arg2[%get3A_439, %get3A_440] : memref<1x8192xf32, #tpu.memory_space<vmem>>, vector<1x512xf32>
    %add3A_442 = vector.broadcast %get3A_441 : vector<1x512xf32> to vector<1024x512xf32>
    %add3A_443 = vector.broadcast %get3A_4 : vector<1024x1xf32> to vector<1024x512xf32>
    %add3A_444 = arith.addf %add3A_442, %add3A_443 : vector<1024x512xf32>
    %mul3A_445 = arith.constant 2.000000e+00 : f32
    %mul3A_446 = vector.broadcast %mul3A_445 : f32 to vector<1024x512xf32>
    %mul3A_447 = arith.mulf %dot_general3A_438, %mul3A_446 : vector<1024x512xf32>
    %sub3A_448 = arith.subf %add3A_444, %mul3A_447 : vector<1024x512xf32>
    %reduce_min3A_449 = arith.constant dense<0x7F800000> : vector<1024xf32>
    %reduce_min3A_450 = vector.multi_reduction <minimumf>, %sub3A_448, %reduce_min3A_449 [1] : vector<1024x512xf32> to vector<1024xf32>
    %broadcast_in_dim3A_451 = vector.shape_cast %reduce_min3A_450 : vector<1024xf32> to vector<1024x1xf32>
    %eq3A_452 = vector.broadcast %broadcast_in_dim3A_451 : vector<1024x1xf32> to vector<1024x512xf32>
    %eq3A_453 = arith.cmpf oeq, %sub3A_448, %eq3A_452 : vector<1024x512xf32>
    %jit3A_454 = arith.constant 8192 : i32
    %broadcast_in_dim3A_455 = vector.broadcast %jit3A_454 : i32 to vector<1024x512xi32>
    %select_n3A_456 = arith.select %eq3A_453, %iota3A, %broadcast_in_dim3A_455 : vector<1024x512xi1>, vector<1024x512xi32>
    %reduce_min3A_457 = arith.constant dense<2147483647> : vector<1024xi32>
    %reduce_min3A_458 = vector.multi_reduction <minsi>, %select_n3A_456, %reduce_min3A_457 [1] : vector<1024x512xi32> to vector<1024xi32>
    %add3A_459 = arith.constant 5632 : i32
    %add3A_460 = vector.broadcast %add3A_459 : i32 to vector<1024xi32>
    %add3A_461 = arith.addi %reduce_min3A_458, %add3A_460 : vector<1024xi32>
    %squeeze3A_462 = vector.shape_cast %broadcast_in_dim3A_451 : vector<1024x1xf32> to vector<1024xf32>
    %lt3A_463 = arith.cmpf olt, %squeeze3A_462, %select_n3A_432 : vector<1024xf32>
    %select_n3A_464 = arith.select %lt3A_463, %add3A_461, %select_n3A_431 : vector<1024xi1>, vector<1024xi32>
    %select_n3A_465 = arith.select %lt3A_463, %squeeze3A_462, %select_n3A_432 : vector<1024xi1>, vector<1024xf32>
    %get3A_466 = arith.constant 6144 : index
    %get3A_467 = arith.constant 0 : index
    %get3A_468 = vector.load %arg4[%get3A_466, %get3A_467] : memref<8192x256xf32, #tpu.memory_space<vmem>>, vector<512x256xf32>
    %convert_element_type3A_469 = arith.truncf %get3A_468 : vector<512x256xf32> to vector<512x256xbf16>
    %dot_general3A_470 = arith.constant dense<0.000000e+00> : vector<1024x512xf32>
    %dot_general3A_471 = tpu.matmul %convert_element_type3A, %convert_element_type3A_469, %dot_general3A_470 {dimension_numbers = #tpu.dot_dimension_numbers<[1], [1], [0], [0], [0, 0, 1, 0], [], []>, transpose_lhs_hint = false} : vector<1024x256xbf16>, vector<512x256xbf16>, vector<1024x512xf32> -> vector<1024x512xf32>
    %get3A_472 = arith.constant 0 : index
    %get3A_473 = arith.constant 6144 : index
    %get3A_474 = vector.load %arg2[%get3A_472, %get3A_473] : memref<1x8192xf32, #tpu.memory_space<vmem>>, vector<1x512xf32>
    %add3A_475 = vector.broadcast %get3A_474 : vector<1x512xf32> to vector<1024x512xf32>
    %add3A_476 = vector.broadcast %get3A_4 : vector<1024x1xf32> to vector<1024x512xf32>
    %add3A_477 = arith.addf %add3A_475, %add3A_476 : vector<1024x512xf32>
    %mul3A_478 = arith.constant 2.000000e+00 : f32
    %mul3A_479 = vector.broadcast %mul3A_478 : f32 to vector<1024x512xf32>
    %mul3A_480 = arith.mulf %dot_general3A_471, %mul3A_479 : vector<1024x512xf32>
    %sub3A_481 = arith.subf %add3A_477, %mul3A_480 : vector<1024x512xf32>
    %reduce_min3A_482 = arith.constant dense<0x7F800000> : vector<1024xf32>
    %reduce_min3A_483 = vector.multi_reduction <minimumf>, %sub3A_481, %reduce_min3A_482 [1] : vector<1024x512xf32> to vector<1024xf32>
    %broadcast_in_dim3A_484 = vector.shape_cast %reduce_min3A_483 : vector<1024xf32> to vector<1024x1xf32>
    %eq3A_485 = vector.broadcast %broadcast_in_dim3A_484 : vector<1024x1xf32> to vector<1024x512xf32>
    %eq3A_486 = arith.cmpf oeq, %sub3A_481, %eq3A_485 : vector<1024x512xf32>
    %jit3A_487 = arith.constant 8192 : i32
    %broadcast_in_dim3A_488 = vector.broadcast %jit3A_487 : i32 to vector<1024x512xi32>
    %select_n3A_489 = arith.select %eq3A_486, %iota3A, %broadcast_in_dim3A_488 : vector<1024x512xi1>, vector<1024x512xi32>
    %reduce_min3A_490 = arith.constant dense<2147483647> : vector<1024xi32>
    %reduce_min3A_491 = vector.multi_reduction <minsi>, %select_n3A_489, %reduce_min3A_490 [1] : vector<1024x512xi32> to vector<1024xi32>
    %add3A_492 = arith.constant 6144 : i32
    %add3A_493 = vector.broadcast %add3A_492 : i32 to vector<1024xi32>
    %add3A_494 = arith.addi %reduce_min3A_491, %add3A_493 : vector<1024xi32>
    %squeeze3A_495 = vector.shape_cast %broadcast_in_dim3A_484 : vector<1024x1xf32> to vector<1024xf32>
    %lt3A_496 = arith.cmpf olt, %squeeze3A_495, %select_n3A_465 : vector<1024xf32>
    %select_n3A_497 = arith.select %lt3A_496, %add3A_494, %select_n3A_464 : vector<1024xi1>, vector<1024xi32>
    %select_n3A_498 = arith.select %lt3A_496, %squeeze3A_495, %select_n3A_465 : vector<1024xi1>, vector<1024xf32>
    %get3A_499 = arith.constant 6656 : index
    %get3A_500 = arith.constant 0 : index
    %get3A_501 = vector.load %arg4[%get3A_499, %get3A_500] : memref<8192x256xf32, #tpu.memory_space<vmem>>, vector<512x256xf32>
    %convert_element_type3A_502 = arith.truncf %get3A_501 : vector<512x256xf32> to vector<512x256xbf16>
    %dot_general3A_503 = arith.constant dense<0.000000e+00> : vector<1024x512xf32>
    %dot_general3A_504 = tpu.matmul %convert_element_type3A, %convert_element_type3A_502, %dot_general3A_503 {dimension_numbers = #tpu.dot_dimension_numbers<[1], [1], [0], [0], [0, 0, 1, 0], [], []>, transpose_lhs_hint = false} : vector<1024x256xbf16>, vector<512x256xbf16>, vector<1024x512xf32> -> vector<1024x512xf32>
    %get3A_505 = arith.constant 0 : index
    %get3A_506 = arith.constant 6656 : index
    %get3A_507 = vector.load %arg2[%get3A_505, %get3A_506] : memref<1x8192xf32, #tpu.memory_space<vmem>>, vector<1x512xf32>
    %add3A_508 = vector.broadcast %get3A_507 : vector<1x512xf32> to vector<1024x512xf32>
    %add3A_509 = vector.broadcast %get3A_4 : vector<1024x1xf32> to vector<1024x512xf32>
    %add3A_510 = arith.addf %add3A_508, %add3A_509 : vector<1024x512xf32>
    %mul3A_511 = arith.constant 2.000000e+00 : f32
    %mul3A_512 = vector.broadcast %mul3A_511 : f32 to vector<1024x512xf32>
    %mul3A_513 = arith.mulf %dot_general3A_504, %mul3A_512 : vector<1024x512xf32>
    %sub3A_514 = arith.subf %add3A_510, %mul3A_513 : vector<1024x512xf32>
    %reduce_min3A_515 = arith.constant dense<0x7F800000> : vector<1024xf32>
    %reduce_min3A_516 = vector.multi_reduction <minimumf>, %sub3A_514, %reduce_min3A_515 [1] : vector<1024x512xf32> to vector<1024xf32>
    %broadcast_in_dim3A_517 = vector.shape_cast %reduce_min3A_516 : vector<1024xf32> to vector<1024x1xf32>
    %eq3A_518 = vector.broadcast %broadcast_in_dim3A_517 : vector<1024x1xf32> to vector<1024x512xf32>
    %eq3A_519 = arith.cmpf oeq, %sub3A_514, %eq3A_518 : vector<1024x512xf32>
    %jit3A_520 = arith.constant 8192 : i32
    %broadcast_in_dim3A_521 = vector.broadcast %jit3A_520 : i32 to vector<1024x512xi32>
    %select_n3A_522 = arith.select %eq3A_519, %iota3A, %broadcast_in_dim3A_521 : vector<1024x512xi1>, vector<1024x512xi32>
    %reduce_min3A_523 = arith.constant dense<2147483647> : vector<1024xi32>
    %reduce_min3A_524 = vector.multi_reduction <minsi>, %select_n3A_522, %reduce_min3A_523 [1] : vector<1024x512xi32> to vector<1024xi32>
    %add3A_525 = arith.constant 6656 : i32
    %add3A_526 = vector.broadcast %add3A_525 : i32 to vector<1024xi32>
    %add3A_527 = arith.addi %reduce_min3A_524, %add3A_526 : vector<1024xi32>
    %squeeze3A_528 = vector.shape_cast %broadcast_in_dim3A_517 : vector<1024x1xf32> to vector<1024xf32>
    %lt3A_529 = arith.cmpf olt, %squeeze3A_528, %select_n3A_498 : vector<1024xf32>
    %select_n3A_530 = arith.select %lt3A_529, %add3A_527, %select_n3A_497 : vector<1024xi1>, vector<1024xi32>
    %select_n3A_531 = arith.select %lt3A_529, %squeeze3A_528, %select_n3A_498 : vector<1024xi1>, vector<1024xf32>
    %get3A_532 = arith.constant 7168 : index
    %get3A_533 = arith.constant 0 : index
    %get3A_534 = vector.load %arg4[%get3A_532, %get3A_533] : memref<8192x256xf32, #tpu.memory_space<vmem>>, vector<512x256xf32>
    %convert_element_type3A_535 = arith.truncf %get3A_534 : vector<512x256xf32> to vector<512x256xbf16>
    %dot_general3A_536 = arith.constant dense<0.000000e+00> : vector<1024x512xf32>
    %dot_general3A_537 = tpu.matmul %convert_element_type3A, %convert_element_type3A_535, %dot_general3A_536 {dimension_numbers = #tpu.dot_dimension_numbers<[1], [1], [0], [0], [0, 0, 1, 0], [], []>, transpose_lhs_hint = false} : vector<1024x256xbf16>, vector<512x256xbf16>, vector<1024x512xf32> -> vector<1024x512xf32>
    %get3A_538 = arith.constant 0 : index
    %get3A_539 = arith.constant 7168 : index
    %get3A_540 = vector.load %arg2[%get3A_538, %get3A_539] : memref<1x8192xf32, #tpu.memory_space<vmem>>, vector<1x512xf32>
    %add3A_541 = vector.broadcast %get3A_540 : vector<1x512xf32> to vector<1024x512xf32>
    %add3A_542 = vector.broadcast %get3A_4 : vector<1024x1xf32> to vector<1024x512xf32>
    %add3A_543 = arith.addf %add3A_541, %add3A_542 : vector<1024x512xf32>
    %mul3A_544 = arith.constant 2.000000e+00 : f32
    %mul3A_545 = vector.broadcast %mul3A_544 : f32 to vector<1024x512xf32>
    %mul3A_546 = arith.mulf %dot_general3A_537, %mul3A_545 : vector<1024x512xf32>
    %sub3A_547 = arith.subf %add3A_543, %mul3A_546 : vector<1024x512xf32>
    %reduce_min3A_548 = arith.constant dense<0x7F800000> : vector<1024xf32>
    %reduce_min3A_549 = vector.multi_reduction <minimumf>, %sub3A_547, %reduce_min3A_548 [1] : vector<1024x512xf32> to vector<1024xf32>
    %broadcast_in_dim3A_550 = vector.shape_cast %reduce_min3A_549 : vector<1024xf32> to vector<1024x1xf32>
    %eq3A_551 = vector.broadcast %broadcast_in_dim3A_550 : vector<1024x1xf32> to vector<1024x512xf32>
    %eq3A_552 = arith.cmpf oeq, %sub3A_547, %eq3A_551 : vector<1024x512xf32>
    %jit3A_553 = arith.constant 8192 : i32
    %broadcast_in_dim3A_554 = vector.broadcast %jit3A_553 : i32 to vector<1024x512xi32>
    %select_n3A_555 = arith.select %eq3A_552, %iota3A, %broadcast_in_dim3A_554 : vector<1024x512xi1>, vector<1024x512xi32>
    %reduce_min3A_556 = arith.constant dense<2147483647> : vector<1024xi32>
    %reduce_min3A_557 = vector.multi_reduction <minsi>, %select_n3A_555, %reduce_min3A_556 [1] : vector<1024x512xi32> to vector<1024xi32>
    %add3A_558 = arith.constant 7168 : i32
    %add3A_559 = vector.broadcast %add3A_558 : i32 to vector<1024xi32>
    %add3A_560 = arith.addi %reduce_min3A_557, %add3A_559 : vector<1024xi32>
    %squeeze3A_561 = vector.shape_cast %broadcast_in_dim3A_550 : vector<1024x1xf32> to vector<1024xf32>
    %lt3A_562 = arith.cmpf olt, %squeeze3A_561, %select_n3A_531 : vector<1024xf32>
    %select_n3A_563 = arith.select %lt3A_562, %add3A_560, %select_n3A_530 : vector<1024xi1>, vector<1024xi32>
    %select_n3A_564 = arith.select %lt3A_562, %squeeze3A_561, %select_n3A_531 : vector<1024xi1>, vector<1024xf32>
    %get3A_565 = arith.constant 7680 : index
    %get3A_566 = arith.constant 0 : index
    %get3A_567 = vector.load %arg4[%get3A_565, %get3A_566] : memref<8192x256xf32, #tpu.memory_space<vmem>>, vector<512x256xf32>
    %convert_element_type3A_568 = arith.truncf %get3A_567 : vector<512x256xf32> to vector<512x256xbf16>
    %dot_general3A_569 = arith.constant dense<0.000000e+00> : vector<1024x512xf32>
    %dot_general3A_570 = tpu.matmul %convert_element_type3A, %convert_element_type3A_568, %dot_general3A_569 {dimension_numbers = #tpu.dot_dimension_numbers<[1], [1], [0], [0], [0, 0, 1, 0], [], []>, transpose_lhs_hint = false} : vector<1024x256xbf16>, vector<512x256xbf16>, vector<1024x512xf32> -> vector<1024x512xf32>
    %get3A_571 = arith.constant 0 : index
    %get3A_572 = arith.constant 7680 : index
    %get3A_573 = vector.load %arg2[%get3A_571, %get3A_572] : memref<1x8192xf32, #tpu.memory_space<vmem>>, vector<1x512xf32>
    %add3A_574 = vector.broadcast %get3A_573 : vector<1x512xf32> to vector<1024x512xf32>
    %add3A_575 = vector.broadcast %get3A_4 : vector<1024x1xf32> to vector<1024x512xf32>
    %add3A_576 = arith.addf %add3A_574, %add3A_575 : vector<1024x512xf32>
    %mul3A_577 = arith.constant 2.000000e+00 : f32
    %mul3A_578 = vector.broadcast %mul3A_577 : f32 to vector<1024x512xf32>
    %mul3A_579 = arith.mulf %dot_general3A_570, %mul3A_578 : vector<1024x512xf32>
    %sub3A_580 = arith.subf %add3A_576, %mul3A_579 : vector<1024x512xf32>
    %reduce_min3A_581 = arith.constant dense<0x7F800000> : vector<1024xf32>
    %reduce_min3A_582 = vector.multi_reduction <minimumf>, %sub3A_580, %reduce_min3A_581 [1] : vector<1024x512xf32> to vector<1024xf32>
    %broadcast_in_dim3A_583 = vector.shape_cast %reduce_min3A_582 : vector<1024xf32> to vector<1024x1xf32>
    %eq3A_584 = vector.broadcast %broadcast_in_dim3A_583 : vector<1024x1xf32> to vector<1024x512xf32>
    %eq3A_585 = arith.cmpf oeq, %sub3A_580, %eq3A_584 : vector<1024x512xf32>
    %jit3A_586 = arith.constant 8192 : i32
    %broadcast_in_dim3A_587 = vector.broadcast %jit3A_586 : i32 to vector<1024x512xi32>
    %select_n3A_588 = arith.select %eq3A_585, %iota3A, %broadcast_in_dim3A_587 : vector<1024x512xi1>, vector<1024x512xi32>
    %reduce_min3A_589 = arith.constant dense<2147483647> : vector<1024xi32>
    %reduce_min3A_590 = vector.multi_reduction <minsi>, %select_n3A_588, %reduce_min3A_589 [1] : vector<1024x512xi32> to vector<1024xi32>
    %add3A_591 = arith.constant 7680 : i32
    %add3A_592 = vector.broadcast %add3A_591 : i32 to vector<1024xi32>
    %add3A_593 = arith.addi %reduce_min3A_590, %add3A_592 : vector<1024xi32>
    %squeeze3A_594 = vector.shape_cast %broadcast_in_dim3A_583 : vector<1024x1xf32> to vector<1024xf32>
    %lt3A_595 = arith.cmpf olt, %squeeze3A_594, %select_n3A_564 : vector<1024xf32>
    %select_n3A_596 = arith.select %lt3A_595, %add3A_593, %select_n3A_563 : vector<1024xi1>, vector<1024xi32>
    %select_n3A_597 = arith.select %lt3A_595, %squeeze3A_594, %select_n3A_564 : vector<1024xi1>, vector<1024xf32>
    %broadcast_in_dim3A_598 = arith.constant 0x7F800000 : f32
    %broadcast_in_dim3A_599 = vector.broadcast %broadcast_in_dim3A_598 : f32 to vector<1024xf32>
    %broadcast_in_dim3A_600 = arith.constant 0x7F800000 : f32
    %broadcast_in_dim3A_601 = vector.broadcast %broadcast_in_dim3A_600 : f32 to vector<1024xf32>
    %broadcast_in_dim3A_602 = arith.constant 0 : i32
    %broadcast_in_dim3A_603 = vector.broadcast %broadcast_in_dim3A_602 : i32 to vector<1024xi32>
    %lt3A_604 = arith.cmpf olt, %broadcast_in_dim3A_599, %select_n3A_203 : vector<1024xf32>
    %eq3A_605 = arith.cmpf oeq, %broadcast_in_dim3A_599, %select_n3A_203 : vector<1024xf32>
    %lt3A_606 = arith.cmpi slt, %broadcast_in_dim3A_603, %select_n3A_202 : vector<1024xi32>
    %and3A_607 = arith.andi %eq3A_605, %lt3A_606 : vector<1024xi1>
    %or3A = arith.ori %lt3A_604, %and3A_607 : vector<1024xi1>
    %select_n3A_608 = arith.select %or3A, %broadcast_in_dim3A_603, %select_n3A_202 : vector<1024xi1>, vector<1024xi32>
    %select_n3A_609 = arith.select %or3A, %broadcast_in_dim3A_601, %select_n3A_203 : vector<1024xi1>, vector<1024xf32>
    %select_n3A_610 = arith.select %or3A, %broadcast_in_dim3A_599, %select_n3A_203 : vector<1024xi1>, vector<1024xf32>
    %convert_element_type3A_611 = arith.truncf %select_n3A_610 : vector<1024xf32> to vector<1024xbf16>
    %convert_element_type3A_612 = arith.extf %convert_element_type3A_611 : vector<1024xbf16> to vector<1024xf32>
    %lt3A_613 = arith.cmpf olt, %convert_element_type3A_612, %select_n3A_405 : vector<1024xf32>
    %eq3A_614 = arith.cmpf oeq, %convert_element_type3A_612, %select_n3A_405 : vector<1024xf32>
    %lt3A_615 = arith.cmpi slt, %select_n3A_608, %select_n3A_404 : vector<1024xi32>
    %and3A_616 = arith.andi %eq3A_614, %lt3A_615 : vector<1024xi1>
    %or3A_617 = arith.ori %lt3A_613, %and3A_616 : vector<1024xi1>
    %select_n3A_618 = arith.select %or3A_617, %select_n3A_608, %select_n3A_404 : vector<1024xi1>, vector<1024xi32>
    %select_n3A_619 = arith.select %or3A_617, %select_n3A_609, %select_n3A_405 : vector<1024xi1>, vector<1024xf32>
    %select_n3A_620 = arith.select %or3A_617, %convert_element_type3A_612, %select_n3A_405 : vector<1024xi1>, vector<1024xf32>
    %convert_element_type3A_621 = arith.truncf %select_n3A_620 : vector<1024xf32> to vector<1024xbf16>
    %convert_element_type3A_622 = arith.extf %convert_element_type3A_621 : vector<1024xbf16> to vector<1024xf32>
    %lt3A_623 = arith.cmpf olt, %convert_element_type3A_622, %select_n3A_597 : vector<1024xf32>
    %eq3A_624 = arith.cmpf oeq, %convert_element_type3A_622, %select_n3A_597 : vector<1024xf32>
    %lt3A_625 = arith.cmpi slt, %select_n3A_618, %select_n3A_596 : vector<1024xi32>
    %and3A_626 = arith.andi %eq3A_624, %lt3A_625 : vector<1024xi1>
    %or3A_627 = arith.ori %lt3A_623, %and3A_626 : vector<1024xi1>
    %select_n3A_628 = arith.select %or3A_627, %select_n3A_618, %select_n3A_596 : vector<1024xi1>, vector<1024xi32>
    %select_n3A_629 = arith.select %or3A_627, %select_n3A_619, %select_n3A_597 : vector<1024xi1>, vector<1024xf32>
    %swap3A = arith.constant 0 : index
    %swap3A_630 = arith.constant 0 : index
    %swap3A_631 = arith.constant 0 : index
    %swap3A_632 = vector.load %arg5[%swap3A, %swap3A_630, %swap3A_631] : memref<1x1x1024xi32, #tpu.memory_space<vmem>>, vector<1x1x1024xi32>
    %swap3A_633 = vector.shape_cast %swap3A_632 : vector<1x1x1024xi32> to vector<1024xi32>
    %swap3A_634 = vector.shape_cast %select_n3A_628 : vector<1024xi32> to vector<1x1x1024xi32>
    tpu.vector_store %arg5[%swap3A, %swap3A_630, %swap3A_631], %swap3A_634 {strides = array<i32>} : memref<1x1x1024xi32, #tpu.memory_space<vmem>>, vector<1x1x1024xi32>,
    %eq3A_635 = arith.constant 0 : i32
    %eq3A_636 = arith.cmpi eq, %arg0, %eq3A_635 : i32
    %convert_element_type3A_637 = arith.extui %eq3A_636 : i1 to i32
    %cond3A = arith.constant 0 : i32
    %cond3A_638 = arith.cmpi ne, %convert_element_type3A_637, %cond3A : i32
    scf.if %cond3A_638 {
      %broadcast_in_dim3A_650 = arith.constant 0.000000e+00 : f32
      %broadcast_in_dim3A_651 = vector.broadcast %broadcast_in_dim3A_650 : f32 to vector<1x1xf32>
      %swap3A_652 = arith.constant 0 : index
      %swap3A_653 = arith.constant 0 : index
      %swap3A_654 = vector.load %arg6[%swap3A_652, %swap3A_653] : memref<1x1xf32, #tpu.memory_space<vmem>>, vector<1x1xf32>
      tpu.vector_store %arg6[%swap3A_652, %swap3A_653], %broadcast_in_dim3A_651 {strides = array<i32>} : memref<1x1xf32, #tpu.memory_space<vmem>>, vector<1x1xf32>,
    } else {
    }
    %get3A_639 = arith.constant 0 : index
    %get3A_640 = arith.constant 0 : index
    %get3A_641 = vector.load %arg6[%get3A_639, %get3A_640] : memref<1x1xf32, #tpu.memory_space<vmem>>, vector<1x1xf32>
    %reduce_sum3A = vector.shape_cast %select_n3A_629 : vector<1024xf32> to vector<1x1024xf32>
    %reduce_sum3A_642 = arith.constant dense<0.000000e+00> : vector<1xf32>
    %reduce_sum3A_643 = vector.multi_reduction <add>, %reduce_sum3A, %reduce_sum3A_642 [1] : vector<1x1024xf32> to vector<1xf32>
    %reduce_sum3A_644 = vector.shape_cast %reduce_sum3A_643 : vector<1xf32> to vector<1x1xf32>
    %reduce_sum3A_645 = vector.extract %reduce_sum3A_644[0, 0] : f32 from vector<1x1xf32>
    %reshape3A = vector.broadcast %reduce_sum3A_645 : f32 to vector<1x1xf32>
    %add3A_646 = arith.addf %get3A_641, %reshape3A : vector<1x1xf32>
    %swap3A_647 = arith.constant 0 : index
    %swap3A_648 = arith.constant 0 : index
    %swap3A_649 = vector.load %arg6[%swap3A_647, %swap3A_648] : memref<1x1xf32, #tpu.memory_space<vmem>>, vector<1x1xf32>
    tpu.vector_store %arg6[%swap3A_647, %swap3A_648], %add3A_646 {strides = array<i32>} : memref<1x1xf32, #tpu.memory_space<vmem>>, vector<1x1xf32>,
    return
  }
  func.func @transform_0(%arg0: i32) -> (i32, i32) {
    %c0_i32 = arith.constant 0 : i32
    %c0_i32_0 = arith.constant 0 : i32
    return %arg0, %c0_i32 : i32, i32
  }
  func.func @transform_1(%arg0: i32) -> (i32, i32) {
    %c0_i32 = arith.constant 0 : i32
    %c0_i32_0 = arith.constant 0 : i32
    %c0_i32_1 = arith.constant 0 : i32
    return %c0_i32, %c0_i32_0 : i32, i32
  }
  func.func @transform_2(%arg0: i32) -> (i32, i32) {
    %c0_i32 = arith.constant 0 : i32
    %c0_i32_0 = arith.constant 0 : i32
    return %arg0, %c0_i32 : i32, i32
  }
  func.func @transform_3(%arg0: i32) -> (i32, i32) {
    %c0_i32 = arith.constant 0 : i32
    %c0_i32_0 = arith.constant 0 : i32
    %c0_i32_1 = arith.constant 0 : i32
    return %c0_i32, %c0_i32_0 : i32, i32
  }
  func.func @transform_4(%arg0: i32) -> (i32, i32, i32) {
    %c0_i32 = arith.constant 0 : i32
    %c0_i32_0 = arith.constant 0 : i32
    %c0_i32_1 = arith.constant 0 : i32
    return %arg0, %c0_i32, %c0_i32_0 : i32, i32, i32
  }
  func.func @transform_5(%arg0: i32) -> (i32, i32) {
    %c0_i32 = arith.constant 0 : i32
    %c0_i32_0 = arith.constant 0 : i32
    %c0_i32_1 = arith.constant 0 : i32
    return %c0_i32, %c0_i32_0 : i32, i32
  }
}

</mosaic_0001>

<sc_bundles>
// kernel: kernel.4.cloned.1.call-start
scs
__scs_entry_jumppad:
0x0: {  	(pc) =	sbr.rel $0x88, $3  }
0x1: {  	(tag) =	ssettag $0x0;
	lr =	simm.s32 $0x1  }
0x2: {  	[smem:$0x3F9F] =	sst lr;
	_ =	strace $0xD0000000  }
0x3: {  	_ = 	snop  }
0x4: {  	_ = 	snop  }
0x5: {  	_ = 	snop  }
0x6: {  	_ = 	snop  }
0x7: {  	_ = 	snop  }
__scs_overlays_trampoline_lowered:
0x8: {  	[smem:$0x3FAE] =	sst s0  }
0x9: {  	[smem:$0x3FAF] =	sst s1  }
0xa: {  	[smem:$0x3FB0] =	sst s2  }
0xb: {  	[smem:$0x3FB1] =	sst s3  }
0xc: {  	[smem:$0x3FB2] =	sst s4  }
0xd: {  	[smem:$0x3FB3] =	sst s5  }
0xe: {  	[smem:$0x3FB4] =	sst s6  }
0xf: {  	[smem:$0x3FB5] =	sst s7  }
0x10: {  	[smem:$0x3FB6] =	sst s8  }
0x11: {  	[smem:$0x3FB7] =	sst s9;
	s0 =	simm.s32 @!p0 $0x0  }
0x12: {  	s1 =	sld [smem:$0x3F9D];
	s0 =	simm.s32 @p0 $0x1  }
0x13: {  	[smem:$0x3FB8] =	sst s0;
	s0 =	simm.s32 @!p1 $0x0  }
0x14: {  	s2 =	sld [smem:$0x3F9C];
	s0 =	simm.s32 @p1 $0x1  }
0x15: {  	[smem:$0x3FB9] =	sst s0;
	s0 =	simm.s32 @!p2 $0x0  }
0x16: {  	s3 =	sld [smem:$0x3FDB];
	s0 =	simm.s32 @p2 $0x1  }
0x17: {  	s4 =	simm.s32 $0x1BF5;
	[smem:$0x3FBB] =	sst s0  }
0x18: {  	s0 =	sld [smem:$0x3F9E];
	_ =	swait.ge [sflag:s4], $0x0  }
0x19: {  	s7 =	sld [smem:$0x3F9F]  }
0x1a: {  	s8 =	sadd.s32 $0xFFFFE003, lr  }
0x1b: {  	s9 =	sadd.s32 $0xFFFFFEF7, lr;
	s5 =	simm.s32 $0xFFFFFFFF;
	p2 =	slt.u32 s8, $0xFFFFF086  }
0x1c: {  	p1 =	slt.u32 s9, $0xF7A;
	s5 =	simm.s32 @!p2 $0x0  }
0x1d: {  	s5 =	simm.s32 @p1 $0x1;
	p0 =	seq.s32 s7, s2  }
0x1e: {  	s7 =	smul.u32 @!p0 $0xF7A, s2;
	p2 =	seq.s32 @!p0 s5, $0x0  }
0x1f: {  	s9 =	smul.u32 $0xF7A, s1;
	s8 =	simm.s32 @!p0 $0x1BF5;
	p2 =	por !p2, p0  }
0x20: {  	[sflag:s8] =	ssyncset.s32 @!p0 $0xFFFFF086;
	s6 =	sadd.s32 @!p0 s3, s7;
	s7 =	simm.s32 @!p0 $0x108  }
0x21: {  	s3 =	sadd.s32 s3, s9;
	s6 =	sadd.s32 @!p0 $0x88, s6;
	s7 =	simm.s32 @p2 $0x1082  }
0x22: {  	[simem:s7], [sflag:s8] =	dma.local @!p0 [hbm:s6], $0xF7A  }
0x23: {  	s9 =	sor.u32 $0xD0000000, s2;
	s6 =	simm.s32 $0x108;
	_ =	swait.ge @!p0 [sflag:s8], $0x0  }
0x24: {  	s3 =	sadd.s32 $0x88, s3;
	s6 =	simm.s32 @!p1 $0x1082;
	[sflag:s4] =	ssyncset.s32 $0xFFFFF086  }
0x25: {  	[simem:s6], [sflag:s4] =	dma.local [hbm:s3], $0xF7A  }
0x26: {  	[smem:$0x3F9F] =	sst s1;
	(tag) =	ssettag s2;
	_ =	strace s9  }
0x27: {  	s1 =	sld [smem:$0x3FAF]  }
0x28: {  	s2 =	sld [smem:$0x3FB0]  }
0x29: {  	s4 =	sld [smem:$0x3FB2]  }
0x2a: {  	p0 =	seq.s32 s5, $0x0;
	s5 =	sld [smem:$0x3FB3]  }
0x2b: {  	s6 =	sld [smem:$0x3FB4]  }
0x2c: {  	s7 =	sld [smem:$0x3FB5]  }
0x2d: {  	s3 =	simm.s32 $0x108;
	s8 =	sld [smem:$0x3FB6]  }
0x2e: {  	s3 =	simm.s32 @!p0 $0x1082;
	s9 =	sld [smem:$0x3FB7]  }
0x2f: {  	lr =	sadd.s32 s0, s3;
	s0 =	sld [smem:$0x3FAE]  }
0x30: {  	s3 =	sld [smem:$0x3FB1]  }
0x31: {  	[smem:$0x3FBA] =	sst s10  }
0x32: {  	s10 =	sld [smem:$0x3FB8];
	_ =	sdelay $0x3  }
0x33: {  	p0 =	seq.s32 s10, $0x1;
	s10 =	sld [smem:$0x3FBA];
	_ =	sdelay $0x3  }
0x34: {  	[smem:$0x3FBA] =	sst s10  }
0x35: {  	s10 =	sld [smem:$0x3FB9];
	_ =	sdelay $0x3  }
0x36: {  	p1 =	seq.s32 s10, $0x1;
	s10 =	sld [smem:$0x3FBA];
	_ =	sdelay $0x3  }
0x37: {  	[smem:$0x3FBA] =	sst s10  }
0x38: {  	s10 =	sld [smem:$0x3FBB]  }
0x39: {  	_ = 	snop;
	(pc) =	sbr.ind lr, $3  }
0x3a: {  	_ = 	snop  }
0x3b: {  	_ = 	snop  }
0x3c: {  	p2 =	seq.s32 s10, $0x1;
	s10 =	sld [smem:$0x3FBA]  }
0x3d: {  	_ =	shalt  }
0x3e: {  	_ =	shalt  }
0x3f: {  	_ =	shalt  }
0x40: {  	_ =	shalt  }
0x41: {  	_ =	shalt  }
0x42: {  	_ =	shalt  }
0x43: {  	_ =	shalt  }
0x44: {  	_ =	shalt  }
0x45: {  	_ =	shalt  }
0x46: {  	_ =	shalt  }
0x47: {  	_ =	shalt  }
0x48: {  	_ =	shalt  }
0x49: {  	_ =	shalt  }
0x4a: {  	_ =	shalt  }
0x4b: {  	_ =	shalt  }
0x4c: {  	_ =	shalt  }
0x4d: {  	_ =	shalt  }
0x4e: {  	_ =	shalt  }
0x4f: {  	_ =	shalt  }
0x50: {  	_ =	shalt  }
0x51: {  	_ =	shalt  }
0x52: {  	_ =	shalt  }
0x53: {  	_ =	shalt  }
0x54: {  	_ =	shalt  }
0x55: {  	_ =	shalt  }
0x56: {  	_ =	shalt  }
0x57: {  	_ =	shalt  }
0x58: {  	_ =	shalt  }
0x59: {  	_ =	shalt  }
0x5a: {  	_ =	shalt  }
0x5b: {  	_ =	shalt  }
0x5c: {  	_ =	shalt  }
0x5d: {  	_ =	shalt  }
0x5e: {  	_ =	shalt  }
0x5f: {  	_ =	shalt  }
0x60: {  	_ =	shalt  }
0x61: {  	_ =	shalt  }
0x62: {  	_ =	shalt  }
0x63: {  	_ =	shalt  }
0x64: {  	_ =	shalt  }
0x65: {  	_ =	shalt  }
0x66: {  	_ =	shalt  }
0x67: {  	_ =	shalt  }
0x68: {  	_ =	shalt  }
0x69: {  	_ =	shalt  }
0x6a: {  	_ =	shalt  }
0x6b: {  	_ =	shalt  }
0x6c: {  	_ =	shalt  }
0x6d: {  	_ =	shalt  }
0x6e: {  	_ =	shalt  }
0x6f: {  	_ =	shalt  }
0x70: {  	_ =	shalt  }
0x71: {  	_ =	shalt  }
0x72: {  	_ =	shalt  }
0x73: {  	_ =	shalt  }
0x74: {  	_ =	shalt  }
0x75: {  	_ =	shalt  }
0x76: {  	_ =	shalt  }
0x77: {  	_ =	shalt  }
0x78: {  	_ =	shalt  }
0x79: {  	_ =	shalt  }
0x7a: {  	_ =	shalt  }
0x7b: {  	_ =	shalt  }
0x7c: {  	_ =	shalt  }
0x7d: {  	_ =	shalt  }
0x7e: {  	_ =	shalt  }
0x7f: {  	_ =	shalt  }
0x80: {  	_ =	shalt  }
0x81: {  	_ =	shalt  }
0x82: {  	_ =	shalt  }
0x83: {  	_ =	shalt  }
0x84: {  	_ =	shalt  }
0x85: {  	_ =	shalt  }
0x86: {  	_ =	shalt  }
0x87: {  	_ =	shalt  }
.Lfunc_end0:
.L_simem_size_0:
called_computation_lowered:
.L_overlay_start_0:
0x88: {  	s2 =	sld [smem:$0x3FD9]  }
0x89: {  	s3 =	sld [smem:$0x3FFE];
	_ =	sdelay $0x1  }
0x8a: {  	s1 =	srdreg.scid  }
0x8b: {  	s0 =	sand.u32 $0x1, s1  }
0x8c: {  	s14 =	sshll.u32 s0, $0xA;
	s2 =	sadd.s32 s3, s2  }
0x8d: {  	s2 =	sadd.s32 s2, s14  }
0x8e: {  	[smem:$0x3FC6] =	sst s2  }
0x8f: {  	_ = 	snop  }
0x90: {  	s2 =	sld [smem:$0x3FD0];
	_ =	sdelay $0x2  }
0x91: {  	s4 =	simm.s32 $0xA;
	s5 =	simm.s32 $0x10;
	s15 =	sld [smem:$0x3FC8]  }
0x92: {  	[smem:s5], [sflag:s4] =	dma.local [hbm:s2], $0x1  }
0x93: {  	_ =	swait.eq [sflag:s4], $0x1  }
0x94: {  	[sflag:s4] =	ssyncset.done $0x0  }
0x95: {  	[sflag:s4] =	ssyncadd.s32 $0xFFFFFFFF  }
0x96: {  	s16 =	sld [smem:$0x11];
	(tm) =	ssettm $0x1  }
0x97: {  	s17 =	sld [smem:$0x3FFB];
	_ =	sdelay $0x3  }
0x98: {  	_ =	strace s17  }
0x99: {  	s4 =	sld [smem:$0x3FFC];
	_ =	sdelay $0x3  }
0x9a: {  	_ =	strace s4  }
0x9b: {  	s4 =	sld [smem:$0x3FFD];
	_ =	sdelay $0x3  }
0x9c: {  	_ =	strace s4  }
0x9d: {  	_ =	strace $0x8FFFFFFF  }
0x9e: {  	s18 =	sld [smem:$0x3FDB];
	_ =	sdelay $0x1  }
0x9f: {  	s19 =	simm.s32 $_scs_section_size  }
0xa0: {  	s6 =	simm.s32 $_size__tile_overlayer_lowered;
	s7 =	simm.s32 $_tile_overlayer_lowered  }
0xa1: {  	s22 =	simm.s32 $0x1BFF;
	s21 =	sshll.u32 s7, $0x1;
	s4 =	sadd.s32 s19, s18  }
0xa2: {  	s8 =	simm.s32 $0x0;
	s20 =	sshll.u32 s6, $0x1;
	s6 =	sadd.s32 s21, s4  }
0xa3: {  	[timem:s8], [sflag:s22] =	dma.local [hbm:s6], s20  }
0xa4: {  	_ =	swait.ge [sflag:s22], s20  }
0xa5: {  	s5 =	ssub.s32 $0x0, s20;
	[sflag:s22] =	ssyncset.done $0x0  }
0xa6: {  	[sflag:s22] =	ssyncadd.s32 s5;
	_ =	sdelay $0x1  }
0xa7: {  	s23 =	simm.s32 $0x1B8B  }
0xa8: {  	_ =	swait.ge [sflag:s23], $0x1  }
0xa9: {  	[sflag:s23] =	ssyncset.done $0x0  }
0xaa: {  	s25 =	simm.s32 $0x1B8E;
	s24 =	sld [smem:$0x3FFE];
	[sflag:s23] =	ssyncadd.s32 $0xFFFFFFFF  }
0xab: {  	s26 =	simm.s32 $execute0_lowered;
	[smem:$0x3FD2] =	sst s25  }
0xac: {  	s6 =	sshll.u32 s26, $0x1;
	_ =	strace $0x80000046;
	[dreg:$0x1] =	wrdreg $0xFFFFFFFF  }
0xad: {  	s28 =	simm.s32 $_size_execute0_lowered;
	s4 =	sadd.s32 s4, s6;
	[dreg:$0x0] =	wrdreg $0x0  }
0xae: {  	s6 =	sshll.u32 s28, $0x1;
	[dreg:$0x2] =	wrdreg s4  }
0xaf: {  	[dreg:$0x3] =	wrdreg s6  }
0xb0: {  	[dreg:$0x4] =	wrdreg $0xC0  }
0xb1: {  	_ =	task [dreg:s8], $0x5FFFF  }
0xb2: {  	[dreg:$0x1] =	wrdreg $0xFFFFFFFF  }
0xb3: {  	[dreg:$0x0] =	wrdreg $0x60  }
0xb4: {  	[dreg:$0x2] =	wrdreg s15  }
0xb5: {  	[dreg:$0x3] =	wrdreg s24  }
0xb6: {  	[dreg:$0x4] =	wrdreg s16  }
0xb7: {  	[dreg:$0x5] =	wrdreg $0x9  }
0xb8: {  	_ =	task.clear_ibuf [dreg:s8], $0x6FFFF;
	_ =	strace $0x90000046  }
0xb9: {  	s29 =	simm.s32 $0x9;
	_ =	strace $0x80000048  }
0xba: {  	_ =	swait.ge [sflag:s29], $0x1  }
0xbb: {  	[sflag:s29] =	ssyncadd.s32 $0xFFFFFFFF  }
0xbc: {  	_ =	strace $0x90000048  }
0xbd: {  	_ =	sfence  }
0xbe: {  	s30 =	sld [smem:$0x0];
	_ =	sdelay $0x2  }
0xbf: {  	s31 =	sshll.u32 s1, $0xD;
	s1 =	sshrl.u32 s1, $0x2  }
0xc0: {  	s3 =	sand.u32 $0x4000, s31;
	s1 =	sadd.s32 s1, s30  }
0xc1: {  	s0 =	sor.u32 s3, s0;
	s1 =	sshll.u32 s1, $0x11  }
0xc2: {  	s0 =	sor.u32 s1, s0  }
0xc3: {  	s0 =	sadd.s32 $0x8F2B, s0  }
0xc4: {  	[sflag:s0] =	ssyncadd.remote.s32 $0x1  }
0xc5: {  	_ =	sfence.sel $0xFFFF  }
0xc6: {  	[dreg:$0x0] =	wrdreg $0xFFFFFFFF;
	(pc) =	sbr.abs _section_cstart, $3  }
0xc7: {  	[dreg:$0x1] =	wrdreg $0xFFFFFFFF  }
0xc8: {  	_ =	task.clear_ibuf [dreg:s8], $0x2FFFF;
	_ =	strace $0x9FFFFFFF  }
0xc9: {  	(tm) =	ssettm $0x7FFFFFFF  }
tec
execute0_lowered:
.L_overlay_start_1:
0x0: {  	(tag) =	ssettag $0x1  }
0x1: {  	s1 =	rddreg [dreg:$0x0]  }
0x2: {  	s0 =	rddreg [dreg:$0x1]  }
0x3: {  	s2 =	rddreg [dreg:$0x2]  }
0x4: {  	s3 =	srdreg.scid;
	s5 =	stileid.u32  }
0x5: {  	s14 =	simm.s32 $0x1;
	s16 =	simm.s32 $0x1200;
	s17 =	simm.s32 $0x1A00  }
0x6: {  	s18 =	simm.s32 $0x2200;
	s19 =	simm.s32 $0x2A00;
	s21 =	simm.s32 $0x3A00  }
0x7: {  	s28 =	simm.s32 $0x6A00;
	s29 =	simm.s32 $0x7200;
	s30 =	simm.s32 $0x7A00  }
0x8: {  	s31 =	simm.s32 $0x8200;
	s8 =	simm.s32 $0x9A00;
	s9 =	simm.s32 $0xA200  }
0x9: {  	s10 =	simm.s32 $0xAA00;
	s11 =	simm.s32 $0xB200;
	s12 =	simm.s32 $0xBA00  }
0xa: {  	s13 =	simm.s32 $0xC200;
	s7 =	simm.s32 $0xCA00;
	s4 =	sand.u32 $0x1, s3  }
0xb: {  	s3 =	simm.s32 $0x0;
	s5 =	sshll.u32 s5, $0xA;
	s6 =	sshll.u32 s4, $0x9  }
0xc: {  	[smem:$0x7FF] =	sst s3;
	s22 =	ssub.s32 $0x2, s4;
	s5 =	sor.u32 s6, s5  }
0xd: {  	_ =	strace $0x80000047;
	s24 =	sshrl.u32 s22, $0x1;
	s6 =	sshrl.u32 s5, $0x3  }
0xe: {  	s23 =	sshll.u32 s5, $0x5;
	s25 =	ssub.s32 s22, s24;
	s22 =	simm.s32 $0x4200  }
0xf: {  	s24 =	simm.s32 $0x5200;
	s0 =	sadd.s32 s6, s0;
	s4 =	sadd.s32 s2, s23  }
0x10: {  	s5 =	smax.u32 s25, $0x1;
	s6 =	simm.s32 $0x2;
	s23 =	simm.s32 $0x4A00  }
0x11: {  	v2 =	vlaneseq.u32;
	s25 =	simm.s32 $0x5A00;
	s0 =	sadd.s32 $0x200, s0;
	[dreg:$0x6] =	wrdreg s4  }
0x12: {  	vm0 =	vmmov $0xffff;
	v1 =	vshrl.u32 v2, $0x3;
	s2 =	simm.s32 $0x9200;
	s26 =	sadd.s32 $0x2000, s4;
	[dreg:$0x4] =	wrdreg s0  }
0x13: {  	v0 =	vand.u32 $0x7, v2;
	v2 =	vor.u32 $0x8, v2;
	v1 =	vmul.u32 $0x8, v1;
	s4 =	simm.s32 $0x3200;
	[dreg:$0x5] =	wrdreg s26;
	s26 =	simm.s32 $0x6200  }
.LBB2_1:
0x14: {  	s15 =	rddreg [dreg:$0x4]  }
0x15: {  	[tilespmem:s3], [sflag:$0x2] =	stream.linear.gather [hbm4b:s15+s3], $0x200, $0x38;
	[tilespmem:$0x10200] =	vst v63  }
0x16: {  	_ =	swait.ge [sflag:s6], $0x200  }
0x17: {  	[sflag:s6] =	ssyncset.done $0x0  }
0x18: {  	[sflag:s6] =	ssyncadd.s32 $0xFFFFFE00  }
0x19: {  	v3 =	vld [tilespmem:$0x0];
	_ =	sdelay $0x4  }
0x1a: {  	v4 =	vshll.u32 v3, $0x1  }
0x1b: {  	v3 =	vand.u32 $0x7, v3;
	v4 =	vand.u32 $0xFFFFFFF0, v4  }
0x1c: {  	v3 =	vor.u32 v3, v4  }
0x1d: {  	v4 =	vperm.xlane v3, v0;
	_ =	sdelay $0x1  }
0x1e: {  	v3 =	vperm.xlane v3, v2;
	v4 =	vadd.s32 v1, v4;
	_ =	sdelay $0x1  }
0x1f: {  	v3 =	vadd.s32 v1, v3;
	_ =	sdelay $0x1  }
0x20: {  	s0 =	simm.s32 $0x200  }
0x21: {  	[tilespmem:s0], [sflag:$0x1] =	stream.indirect_vreg.gather [hbm4b:s1+s3], $0x80, v4, vm0, $0xb8;
	[tilespmem:$0x10200] =	vst v63  }
0x22: {  	s15 =	simm.s32 $0xA00  }
0x23: {  	[tilespmem:s15], [sflag:$0x1] =	stream.indirect_vreg.gather [hbm4b:s1+s3], $0x80, v3, vm0, $0xb8;
	[tilespmem:$0x10200] =	vst v63  }
0x24: {  	v3 =	vld [tilespmem:$0x10];
	_ =	sdelay $0x4  }
0x25: {  	v33 =	vshll.u32 v3, $0x1  }
0x26: {  	v3 =	vand.u32 $0x7, v3;
	v4 =	vand.u32 $0xFFFFFFF0, v33  }
0x27: {  	v3 =	vor.u32 v3, v4  }
0x28: {  	v4 =	vperm.xlane v3, v0;
	_ =	sdelay $0x1  }
0x29: {  	v3 =	vperm.xlane v3, v2;
	v4 =	vadd.s32 v1, v4;
	_ =	sdelay $0x1  }
0x2a: {  	v3 =	vadd.s32 v1, v3;
	_ =	sdelay $0x2  }
0x2b: {  	[tilespmem:s16], [sflag:$0x1] =	stream.indirect_vreg.gather [hbm4b:s1+s3], $0x80, v4, vm0, $0xb8;
	[tilespmem:$0x10200] =	vst v63  }
0x2c: {  	_ = 	snop  }
0x2d: {  	[tilespmem:s17], [sflag:$0x1] =	stream.indirect_vreg.gather [hbm4b:s1+s3], $0x80, v3, vm0, $0xb8;
	[tilespmem:$0x10200] =	vst v63  }
0x2e: {  	v3 =	vld [tilespmem:$0x20];
	_ =	sdelay $0x4  }
0x2f: {  	v34 =	vshll.u32 v3, $0x1  }
0x30: {  	v3 =	vand.u32 $0x7, v3;
	v4 =	vand.u32 $0xFFFFFFF0, v34  }
0x31: {  	v3 =	vor.u32 v3, v4  }
0x32: {  	v4 =	vperm.xlane v3, v0;
	_ =	sdelay $0x1  }
0x33: {  	v3 =	vperm.xlane v3, v2;
	v4 =	vadd.s32 v1, v4;
	_ =	sdelay $0x1  }
0x34: {  	v3 =	vadd.s32 v1, v3;
	_ =	sdelay $0x2  }
0x35: {  	[tilespmem:s18], [sflag:$0x1] =	stream.indirect_vreg.gather [hbm4b:s1+s3], $0x80, v4, vm0, $0xb8;
	[tilespmem:$0x10200] =	vst v63  }
0x36: {  	_ = 	snop  }
0x37: {  	[tilespmem:s19], [sflag:$0x1] =	stream.indirect_vreg.gather [hbm4b:s1+s3], $0x80, v3, vm0, $0xb8;
	[tilespmem:$0x10200] =	vst v63  }
0x38: {  	v3 =	vld [tilespmem:$0x30];
	_ =	sdelay $0x4  }
0x39: {  	v35 =	vshll.u32 v3, $0x1  }
0x3a: {  	v3 =	vand.u32 $0x7, v3;
	v4 =	vand.u32 $0xFFFFFFF0, v35  }
0x3b: {  	v3 =	vor.u32 v3, v4  }
0x3c: {  	v4 =	vperm.xlane v3, v0;
	_ =	sdelay $0x1  }
0x3d: {  	v3 =	vperm.xlane v3, v2;
	v4 =	vadd.s32 v1, v4;
	_ =	sdelay $0x1  }
0x3e: {  	v3 =	vadd.s32 v1, v3;
	_ =	sdelay $0x2  }
0x3f: {  	[tilespmem:s4], [sflag:$0x1] =	stream.indirect_vreg.gather [hbm4b:s1+s3], $0x80, v4, vm0, $0xb8;
	[tilespmem:$0x10200] =	vst v63  }
0x40: {  	_ = 	snop  }
0x41: {  	[tilespmem:s21], [sflag:$0x1] =	stream.indirect_vreg.gather [hbm4b:s1+s3], $0x80, v3, vm0, $0xb8;
	[tilespmem:$0x10200] =	vst v63  }
0x42: {  	v3 =	vld [tilespmem:$0x40];
	_ =	sdelay $0x4  }
0x43: {  	v36 =	vshll.u32 v3, $0x1  }
0x44: {  	v3 =	vand.u32 $0x7, v3;
	v4 =	vand.u32 $0xFFFFFFF0, v36  }
0x45: {  	v3 =	vor.u32 v3, v4  }
0x46: {  	v4 =	vperm.xlane v3, v0;
	_ =	sdelay $0x1  }
0x47: {  	v3 =	vperm.xlane v3, v2;
	v4 =	vadd.s32 v1, v4;
	_ =	sdelay $0x1  }
0x48: {  	v3 =	vadd.s32 v1, v3;
	_ =	sdelay $0x2  }
0x49: {  	[tilespmem:s22], [sflag:$0x1] =	stream.indirect_vreg.gather [hbm4b:s1+s3], $0x80, v4, vm0, $0xb8;
	[tilespmem:$0x10200] =	vst v63  }
0x4a: {  	_ = 	snop  }
0x4b: {  	[tilespmem:s23], [sflag:$0x1] =	stream.indirect_vreg.gather [hbm4b:s1+s3], $0x80, v3, vm0, $0xb8;
	[tilespmem:$0x10200] =	vst v63  }
0x4c: {  	v3 =	vld [tilespmem:$0x50];
	_ =	sdelay $0x4  }
0x4d: {  	v37 =	vshll.u32 v3, $0x1  }
0x4e: {  	v3 =	vand.u32 $0x7, v3;
	v4 =	vand.u32 $0xFFFFFFF0, v37  }
0x4f: {  	v3 =	vor.u32 v3, v4  }
0x50: {  	v4 =	vperm.xlane v3, v0;
	_ =	sdelay $0x1  }
0x51: {  	v3 =	vperm.xlane v3, v2;
	v4 =	vadd.s32 v1, v4;
	_ =	sdelay $0x1  }
0x52: {  	v3 =	vadd.s32 v1, v3;
	_ =	sdelay $0x2  }
0x53: {  	[tilespmem:s24], [sflag:$0x1] =	stream.indirect_vreg.gather [hbm4b:s1+s3], $0x80, v4, vm0, $0xb8;
	[tilespmem:$0x10200] =	vst v63  }
0x54: {  	_ = 	snop  }
0x55: {  	[tilespmem:s25], [sflag:$0x1] =	stream.indirect_vreg.gather [hbm4b:s1+s3], $0x80, v3, vm0, $0xb8;
	[tilespmem:$0x10200] =	vst v63  }
0x56: {  	v3 =	vld [tilespmem:$0x60];
	_ =	sdelay $0x4  }
0x57: {  	v38 =	vshll.u32 v3, $0x1  }
0x58: {  	v3 =	vand.u32 $0x7, v3;
	v4 =	vand.u32 $0xFFFFFFF0, v38  }
0x59: {  	v3 =	vor.u32 v3, v4  }
0x5a: {  	v4 =	vperm.xlane v3, v0;
	_ =	sdelay $0x1  }
0x5b: {  	v3 =	vperm.xlane v3, v2;
	v4 =	vadd.s32 v1, v4;
	_ =	sdelay $0x1  }
0x5c: {  	v3 =	vadd.s32 v1, v3;
	_ =	sdelay $0x2  }
0x5d: {  	[tilespmem:s26], [sflag:$0x1] =	stream.indirect_vreg.gather [hbm4b:s1+s3], $0x80, v4, vm0, $0xb8;
	[tilespmem:$0x10200] =	vst v63  }
0x5e: {  	_ = 	snop  }
0x5f: {  	[tilespmem:s28], [sflag:$0x1] =	stream.indirect_vreg.gather [hbm4b:s1+s3], $0x80, v3, vm0, $0xb8;
	[tilespmem:$0x10200] =	vst v63  }
0x60: {  	v3 =	vld [tilespmem:$0x70];
	_ =	sdelay $0x4  }
0x61: {  	v39 =	vshll.u32 v3, $0x1  }
0x62: {  	v3 =	vand.u32 $0x7, v3;
	v4 =	vand.u32 $0xFFFFFFF0, v39  }
0x63: {  	v3 =	vor.u32 v3, v4  }
0x64: {  	v4 =	vperm.xlane v3, v0;
	_ =	sdelay $0x1  }
0x65: {  	v3 =	vperm.xlane v3, v2;
	v4 =	vadd.s32 v1, v4;
	_ =	sdelay $0x1  }
0x66: {  	v3 =	vadd.s32 v1, v3;
	_ =	sdelay $0x2  }
0x67: {  	[tilespmem:s29], [sflag:$0x1] =	stream.indirect_vreg.gather [hbm4b:s1+s3], $0x80, v4, vm0, $0xb8;
	[tilespmem:$0x10200] =	vst v63  }
0x68: {  	_ = 	snop  }
0x69: {  	[tilespmem:s30], [sflag:$0x1] =	stream.indirect_vreg.gather [hbm4b:s1+s3], $0x80, v3, vm0, $0xb8;
	[tilespmem:$0x10200] =	vst v63  }
0x6a: {  	v3 =	vld [tilespmem:$0x80];
	_ =	sdelay $0x4  }
0x6b: {  	v40 =	vshll.u32 v3, $0x1  }
0x6c: {  	v3 =	vand.u32 $0x7, v3;
	v4 =	vand.u32 $0xFFFFFFF0, v40  }
0x6d: {  	v3 =	vor.u32 v3, v4  }
0x6e: {  	v4 =	vperm.xlane v3, v0;
	_ =	sdelay $0x1  }
0x6f: {  	v3 =	vperm.xlane v3, v2;
	v4 =	vadd.s32 v1, v4;
	_ =	sdelay $0x1  }
0x70: {  	v3 =	vadd.s32 v1, v3;
	_ =	sdelay $0x2  }
0x71: {  	[tilespmem:s31], [sflag:$0x1] =	stream.indirect_vreg.gather [hbm4b:s1+s3], $0x80, v4, vm0, $0xb8;
	[tilespmem:$0x10200] =	vst v63  }
0x72: {  	s20 =	simm.s32 $0x8A00  }
0x73: {  	[tilespmem:s20], [sflag:$0x1] =	stream.indirect_vreg.gather [hbm4b:s1+s3], $0x80, v3, vm0, $0xb8;
	[tilespmem:$0x10200] =	vst v63  }
0x74: {  	v3 =	vld [tilespmem:$0x90];
	_ =	sdelay $0x4  }
0x75: {  	v41 =	vshll.u32 v3, $0x1  }
0x76: {  	v3 =	vand.u32 $0x7, v3;
	v4 =	vand.u32 $0xFFFFFFF0, v41  }
0x77: {  	v3 =	vor.u32 v3, v4  }
0x78: {  	v4 =	vperm.xlane v3, v0;
	_ =	sdelay $0x1  }
0x79: {  	v3 =	vperm.xlane v3, v2;
	v4 =	vadd.s32 v1, v4;
	_ =	sdelay $0x1  }
0x7a: {  	v3 =	vadd.s32 v1, v3;
	_ =	sdelay $0x2  }
0x7b: {  	[tilespmem:s2], [sflag:$0x1] =	stream.indirect_vreg.gather [hbm4b:s1+s3], $0x80, v4, vm0, $0xb8;
	[tilespmem:$0x10200] =	vst v63  }
0x7c: {  	_ = 	snop  }
0x7d: {  	[tilespmem:s8], [sflag:$0x1] =	stream.indirect_vreg.gather [hbm4b:s1+s3], $0x80, v3, vm0, $0xb8;
	[tilespmem:$0x10200] =	vst v63  }
0x7e: {  	v3 =	vld [tilespmem:$0xA0];
	_ =	sdelay $0x4  }
0x7f: {  	v42 =	vshll.u32 v3, $0x1  }
0x80: {  	v3 =	vand.u32 $0x7, v3;
	v4 =	vand.u32 $0xFFFFFFF0, v42  }
0x81: {  	v3 =	vor.u32 v3, v4  }
0x82: {  	v4 =	vperm.xlane v3, v0;
	_ =	sdelay $0x1  }
0x83: {  	v3 =	vperm.xlane v3, v2;
	v4 =	vadd.s32 v1, v4;
	_ =	sdelay $0x1  }
0x84: {  	v3 =	vadd.s32 v1, v3;
	_ =	sdelay $0x2  }
0x85: {  	[tilespmem:s9], [sflag:$0x1] =	stream.indirect_vreg.gather [hbm4b:s1+s3], $0x80, v4, vm0, $0xb8;
	[tilespmem:$0x10200] =	vst v63  }
0x86: {  	_ = 	snop  }
0x87: {  	[tilespmem:s10], [sflag:$0x1] =	stream.indirect_vreg.gather [hbm4b:s1+s3], $0x80, v3, vm0, $0xb8;
	[tilespmem:$0x10200] =	vst v63  }
0x88: {  	v3 =	vld [tilespmem:$0xB0];
	_ =	sdelay $0x4  }
0x89: {  	v43 =	vshll.u32 v3, $0x1  }
0x8a: {  	v3 =	vand.u32 $0x7, v3;
	v4 =	vand.u32 $0xFFFFFFF0, v43  }
0x8b: {  	v3 =	vor.u32 v3, v4  }
0x8c: {  	v4 =	vperm.xlane v3, v0;
	_ =	sdelay $0x1  }
0x8d: {  	v3 =	vperm.xlane v3, v2;
	v4 =	vadd.s32 v1, v4;
	_ =	sdelay $0x1  }
0x8e: {  	v3 =	vadd.s32 v1, v3;
	_ =	sdelay $0x2  }
0x8f: {  	[tilespmem:s11], [sflag:$0x1] =	stream.indirect_vreg.gather [hbm4b:s1+s3], $0x80, v4, vm0, $0xb8;
	[tilespmem:$0x10200] =	vst v63  }
0x90: {  	_ = 	snop  }
0x91: {  	[tilespmem:s12], [sflag:$0x1] =	stream.indirect_vreg.gather [hbm4b:s1+s3], $0x80, v3, vm0, $0xb8;
	[tilespmem:$0x10200] =	vst v63  }
0x92: {  	v3 =	vld [tilespmem:$0xC0];
	_ =	sdelay $0x4  }
0x93: {  	v44 =	vshll.u32 v3, $0x1  }
0x94: {  	v3 =	vand.u32 $0x7, v3;
	v4 =	vand.u32 $0xFFFFFFF0, v44  }
0x95: {  	v3 =	vor.u32 v3, v4  }
0x96: {  	v4 =	vperm.xlane v3, v0;
	_ =	sdelay $0x1  }
0x97: {  	v3 =	vperm.xlane v3, v2;
	v4 =	vadd.s32 v1, v4;
	_ =	sdelay $0x1  }
0x98: {  	v3 =	vadd.s32 v1, v3;
	_ =	sdelay $0x2  }
0x99: {  	[tilespmem:s13], [sflag:$0x1] =	stream.indirect_vreg.gather [hbm4b:s1+s3], $0x80, v4, vm0, $0xb8;
	[tilespmem:$0x10200] =	vst v63  }
0x9a: {  	_ = 	snop  }
0x9b: {  	[tilespmem:s7], [sflag:$0x1] =	stream.indirect_vreg.gather [hbm4b:s1+s3], $0x80, v3, vm0, $0xb8;
	[tilespmem:$0x10200] =	vst v63  }
0x9c: {  	v3 =	vld [tilespmem:$0xD0];
	_ =	sdelay $0x4  }
0x9d: {  	v45 =	vshll.u32 v3, $0x1  }
0x9e: {  	v3 =	vand.u32 $0x7, v3;
	v4 =	vand.u32 $0xFFFFFFF0, v45  }
0x9f: {  	v3 =	vor.u32 v3, v4  }
0xa0: {  	v4 =	vperm.xlane v3, v0;
	_ =	sdelay $0x1  }
0xa1: {  	v3 =	vperm.xlane v3, v2;
	v4 =	vadd.s32 v1, v4;
	_ =	sdelay $0x1  }
0xa2: {  	v3 =	vadd.s32 v1, v3;
	_ =	sdelay $0x1  }
0xa3: {  	s20 =	simm.s32 $0xD200  }
0xa4: {  	[tilespmem:s20], [sflag:$0x1] =	stream.indirect_vreg.gather [hbm4b:s1+s3], $0x80, v4, vm0, $0xb8;
	[tilespmem:$0x10200] =	vst v63  }
0xa5: {  	s20 =	simm.s32 $0xDA00  }
0xa6: {  	[tilespmem:s20], [sflag:$0x1] =	stream.indirect_vreg.gather [hbm4b:s1+s3], $0x80, v3, vm0, $0xb8;
	[tilespmem:$0x10200] =	vst v63  }
0xa7: {  	v3 =	vld [tilespmem:$0xE0];
	_ =	sdelay $0x4  }
0xa8: {  	v46 =	vshll.u32 v3, $0x1  }
0xa9: {  	v3 =	vand.u32 $0x7, v3;
	v4 =	vand.u32 $0xFFFFFFF0, v46  }
0xaa: {  	v3 =	vor.u32 v3, v4  }
0xab: {  	v4 =	vperm.xlane v3, v0;
	_ =	sdelay $0x1  }
0xac: {  	v3 =	vperm.xlane v3, v2;
	v4 =	vadd.s32 v1, v4;
	_ =	sdelay $0x1  }
0xad: {  	v3 =	vadd.s32 v1, v3;
	_ =	sdelay $0x1  }
0xae: {  	s20 =	simm.s32 $0xE200  }
0xaf: {  	[tilespmem:s20], [sflag:$0x1] =	stream.indirect_vreg.gather [hbm4b:s1+s3], $0x80, v4, vm0, $0xb8;
	[tilespmem:$0x10200] =	vst v63  }
0xb0: {  	s20 =	simm.s32 $0xEA00  }
0xb1: {  	[tilespmem:s20], [sflag:$0x1] =	stream.indirect_vreg.gather [hbm4b:s1+s3], $0x80, v3, vm0, $0xb8;
	[tilespmem:$0x10200] =	vst v63  }
0xb2: {  	v3 =	vld [tilespmem:$0xF0];
	_ =	sdelay $0x4  }
0xb3: {  	v47 =	vshll.u32 v3, $0x1  }
0xb4: {  	v3 =	vand.u32 $0x7, v3;
	v4 =	vand.u32 $0xFFFFFFF0, v47  }
0xb5: {  	v3 =	vor.u32 v3, v4  }
0xb6: {  	v4 =	vperm.xlane v3, v0;
	_ =	sdelay $0x1  }
0xb7: {  	v3 =	vperm.xlane v3, v2;
	v4 =	vadd.s32 v1, v4;
	_ =	sdelay $0x1  }
0xb8: {  	v3 =	vadd.s32 v1, v3;
	_ =	sdelay $0x1  }
0xb9: {  	s20 =	simm.s32 $0xF200  }
0xba: {  	[tilespmem:s20], [sflag:$0x1] =	stream.indirect_vreg.gather [hbm4b:s1+s3], $0x80, v4, vm0, $0xb8;
	[tilespmem:$0x10200] =	vst v63  }
0xbb: {  	s20 =	simm.s32 $0xFA00  }
0xbc: {  	[tilespmem:s20], [sflag:$0x1] =	stream.indirect_vreg.gather [hbm4b:s1+s3], $0x80, v3, vm0, $0xb8;
	[tilespmem:$0x10200] =	vst v63  }
0xbd: {  	_ =	swait.ge [sflag:s14], $0x10000  }
0xbe: {  	[sflag:s14] =	ssyncset.done $0x0  }
0xbf: {  	s0 =	simm.s32 $0x200;
	s20 =	rddreg [dreg:$0x6];
	[sflag:s14] =	ssyncadd.s32 $0xFFFF0000  }
0xc0: {  	[hbm4b:s20+s3] =	stream.linear.scatter [tilespmem:s0], [sflag:$0x2], $0x10000, $0x38;
	[tilespmem:$0x10200] =	vst v63  }
0xc1: {  	_ =	swait.ge [sflag:s6], $0x10000  }
0xc2: {  	[sflag:s6] =	ssyncset.done $0x0  }
0xc3: {  	[sflag:s6] =	ssyncadd.s32 $0xFFFF0000  }
0xc4: {  	v3 =	vld [tilespmem:$0x100];
	_ =	sdelay $0x4  }
0xc5: {  	v48 =	vshll.u32 v3, $0x1  }
0xc6: {  	v3 =	vand.u32 $0x7, v3;
	v4 =	vand.u32 $0xFFFFFFF0, v48  }
0xc7: {  	v3 =	vor.u32 v3, v4  }
0xc8: {  	v4 =	vperm.xlane v3, v0;
	_ =	sdelay $0x1  }
0xc9: {  	v3 =	vperm.xlane v3, v2;
	v4 =	vadd.s32 v1, v4;
	_ =	sdelay $0x1  }
0xca: {  	v3 =	vadd.s32 v1, v3;
	_ =	sdelay $0x2  }
0xcb: {  	[tilespmem:s0], [sflag:$0x1] =	stream.indirect_vreg.gather [hbm4b:s1+s3], $0x80, v4, vm0, $0xb8;
	[tilespmem:$0x10200] =	vst v63  }
0xcc: {  	_ = 	snop  }
0xcd: {  	[tilespmem:s15], [sflag:$0x1] =	stream.indirect_vreg.gather [hbm4b:s1+s3], $0x80, v3, vm0, $0xb8;
	[tilespmem:$0x10200] =	vst v63  }
0xce: {  	v3 =	vld [tilespmem:$0x110];
	_ =	sdelay $0x4  }
0xcf: {  	v49 =	vshll.u32 v3, $0x1  }
0xd0: {  	v3 =	vand.u32 $0x7, v3;
	v4 =	vand.u32 $0xFFFFFFF0, v49  }
0xd1: {  	v3 =	vor.u32 v3, v4  }
0xd2: {  	v4 =	vperm.xlane v3, v0;
	_ =	sdelay $0x1  }
0xd3: {  	v3 =	vperm.xlane v3, v2;
	v4 =	vadd.s32 v1, v4;
	_ =	sdelay $0x1  }
0xd4: {  	v3 =	vadd.s32 v1, v3;
	_ =	sdelay $0x2  }
0xd5: {  	[tilespmem:s16], [sflag:$0x1] =	stream.indirect_vreg.gather [hbm4b:s1+s3], $0x80, v4, vm0, $0xb8;
	[tilespmem:$0x10200] =	vst v63  }
0xd6: {  	_ = 	snop  }
0xd7: {  	[tilespmem:s17], [sflag:$0x1] =	stream.indirect_vreg.gather [hbm4b:s1+s3], $0x80, v3, vm0, $0xb8;
	[tilespmem:$0x10200] =	vst v63  }
0xd8: {  	v3 =	vld [tilespmem:$0x120];
	_ =	sdelay $0x4  }
0xd9: {  	v50 =	vshll.u32 v3, $0x1  }
0xda: {  	v3 =	vand.u32 $0x7, v3;
	v4 =	vand.u32 $0xFFFFFFF0, v50  }
0xdb: {  	v3 =	vor.u32 v3, v4  }
0xdc: {  	v4 =	vperm.xlane v3, v0;
	_ =	sdelay $0x1  }
0xdd: {  	v3 =	vperm.xlane v3, v2;
	v4 =	vadd.s32 v1, v4;
	_ =	sdelay $0x1  }
0xde: {  	v3 =	vadd.s32 v1, v3;
	_ =	sdelay $0x2  }
0xdf: {  	[tilespmem:s18], [sflag:$0x1] =	stream.indirect_vreg.gather [hbm4b:s1+s3], $0x80, v4, vm0, $0xb8;
	[tilespmem:$0x10200] =	vst v63  }
0xe0: {  	_ = 	snop  }
0xe1: {  	[tilespmem:s19], [sflag:$0x1] =	stream.indirect_vreg.gather [hbm4b:s1+s3], $0x80, v3, vm0, $0xb8;
	[tilespmem:$0x10200] =	vst v63  }
0xe2: {  	v3 =	vld [tilespmem:$0x130];
	_ =	sdelay $0x4  }
0xe3: {  	v51 =	vshll.u32 v3, $0x1  }
0xe4: {  	v3 =	vand.u32 $0x7, v3;
	v4 =	vand.u32 $0xFFFFFFF0, v51  }
0xe5: {  	v3 =	vor.u32 v3, v4  }
0xe6: {  	v4 =	vperm.xlane v3, v0;
	_ =	sdelay $0x1  }
0xe7: {  	v3 =	vperm.xlane v3, v2;
	v4 =	vadd.s32 v1, v4;
	_ =	sdelay $0x1  }
0xe8: {  	v3 =	vadd.s32 v1, v3;
	_ =	sdelay $0x2  }
0xe9: {  	[tilespmem:s4], [sflag:$0x1] =	stream.indirect_vreg.gather [hbm4b:s1+s3], $0x80, v4, vm0, $0xb8;
	[tilespmem:$0x10200] =	vst v63  }
0xea: {  	_ = 	snop  }
0xeb: {  	[tilespmem:s21], [sflag:$0x1] =	stream.indirect_vreg.gather [hbm4b:s1+s3], $0x80, v3, vm0, $0xb8;
	[tilespmem:$0x10200] =	vst v63  }
0xec: {  	v3 =	vld [tilespmem:$0x140];
	_ =	sdelay $0x4  }
0xed: {  	v52 =	vshll.u32 v3, $0x1  }
0xee: {  	v3 =	vand.u32 $0x7, v3;
	v4 =	vand.u32 $0xFFFFFFF0, v52  }
0xef: {  	v3 =	vor.u32 v3, v4  }
0xf0: {  	v4 =	vperm.xlane v3, v0;
	_ =	sdelay $0x1  }
0xf1: {  	v3 =	vperm.xlane v3, v2;
	v4 =	vadd.s32 v1, v4;
	_ =	sdelay $0x1  }
0xf2: {  	v3 =	vadd.s32 v1, v3;
	_ =	sdelay $0x2  }
0xf3: {  	[tilespmem:s22], [sflag:$0x1] =	stream.indirect_vreg.gather [hbm4b:s1+s3], $0x80, v4, vm0, $0xb8;
	[tilespmem:$0x10200] =	vst v63  }
0xf4: {  	_ = 	snop  }
0xf5: {  	[tilespmem:s23], [sflag:$0x1] =	stream.indirect_vreg.gather [hbm4b:s1+s3], $0x80, v3, vm0, $0xb8;
	[tilespmem:$0x10200] =	vst v63  }
0xf6: {  	v3 =	vld [tilespmem:$0x150];
	_ =	sdelay $0x4  }
0xf7: {  	v53 =	vshll.u32 v3, $0x1  }
0xf8: {  	v3 =	vand.u32 $0x7, v3;
	v4 =	vand.u32 $0xFFFFFFF0, v53  }
0xf9: {  	v3 =	vor.u32 v3, v4  }
0xfa: {  	v4 =	vperm.xlane v3, v0;
	_ =	sdelay $0x1  }
0xfb: {  	v3 =	vperm.xlane v3, v2;
	v4 =	vadd.s32 v1, v4;
	_ =	sdelay $0x1  }
0xfc: {  	v3 =	vadd.s32 v1, v3;
	_ =	sdelay $0x2  }
0xfd: {  	[tilespmem:s24], [sflag:$0x1] =	stream.indirect_vreg.gather [hbm4b:s1+s3], $0x80, v4, vm0, $0xb8;
	[tilespmem:$0x10200] =	vst v63  }
0xfe: {  	_ = 	snop  }
0xff: {  	[tilespmem:s25], [sflag:$0x1] =	stream.indirect_vreg.gather [hbm4b:s1+s3], $0x80, v3, vm0, $0xb8;
	[tilespmem:$0x10200] =	vst v63  }
0x100: {  	v3 =	vld [tilespmem:$0x160];
	_ =	sdelay $0x4  }
0x101: {  	v54 =	vshll.u32 v3, $0x1  }
0x102: {  	v3 =	vand.u32 $0x7, v3;
	v4 =	vand.u32 $0xFFFFFFF0, v54  }
0x103: {  	v3 =	vor.u32 v3, v4  }
0x104: {  	v4 =	vperm.xlane v3, v0;
	_ =	sdelay $0x1  }
0x105: {  	v3 =	vperm.xlane v3, v2;
	v4 =	vadd.s32 v1, v4;
	_ =	sdelay $0x1  }
0x106: {  	v3 =	vadd.s32 v1, v3;
	_ =	sdelay $0x2  }
0x107: {  	[tilespmem:s26], [sflag:$0x1] =	stream.indirect_vreg.gather [hbm4b:s1+s3], $0x80, v4, vm0, $0xb8;
	[tilespmem:$0x10200] =	vst v63  }
0x108: {  	_ = 	snop  }
0x109: {  	[tilespmem:s28], [sflag:$0x1] =	stream.indirect_vreg.gather [hbm4b:s1+s3], $0x80, v3, vm0, $0xb8;
	[tilespmem:$0x10200] =	vst v63  }
0x10a: {  	v3 =	vld [tilespmem:$0x170];
	_ =	sdelay $0x4  }
0x10b: {  	v55 =	vshll.u32 v3, $0x1  }
0x10c: {  	v3 =	vand.u32 $0x7, v3;
	v4 =	vand.u32 $0xFFFFFFF0, v55  }
0x10d: {  	v3 =	vor.u32 v3, v4  }
0x10e: {  	v4 =	vperm.xlane v3, v0;
	_ =	sdelay $0x1  }
0x10f: {  	v3 =	vperm.xlane v3, v2;
	v4 =	vadd.s32 v1, v4;
	_ =	sdelay $0x1  }
0x110: {  	v3 =	vadd.s32 v1, v3;
	_ =	sdelay $0x2  }
0x111: {  	[tilespmem:s29], [sflag:$0x1] =	stream.indirect_vreg.gather [hbm4b:s1+s3], $0x80, v4, vm0, $0xb8;
	[tilespmem:$0x10200] =	vst v63  }
0x112: {  	_ = 	snop  }
0x113: {  	[tilespmem:s30], [sflag:$0x1] =	stream.indirect_vreg.gather [hbm4b:s1+s3], $0x80, v3, vm0, $0xb8;
	[tilespmem:$0x10200] =	vst v63  }
0x114: {  	v3 =	vld [tilespmem:$0x180];
	_ =	sdelay $0x4  }
0x115: {  	v56 =	vshll.u32 v3, $0x1  }
0x116: {  	v3 =	vand.u32 $0x7, v3;
	v4 =	vand.u32 $0xFFFFFFF0, v56  }
0x117: {  	v3 =	vor.u32 v3, v4  }
0x118: {  	v4 =	vperm.xlane v3, v0;
	_ =	sdelay $0x1  }
0x119: {  	v3 =	vperm.xlane v3, v2;
	v4 =	vadd.s32 v1, v4;
	_ =	sdelay $0x1  }
0x11a: {  	v3 =	vadd.s32 v1, v3;
	_ =	sdelay $0x2  }
0x11b: {  	[tilespmem:s31], [sflag:$0x1] =	stream.indirect_vreg.gather [hbm4b:s1+s3], $0x80, v4, vm0, $0xb8;
	[tilespmem:$0x10200] =	vst v63  }
0x11c: {  	s15 =	simm.s32 $0x8A00  }
0x11d: {  	[tilespmem:s15], [sflag:$0x1] =	stream.indirect_vreg.gather [hbm4b:s1+s3], $0x80, v3, vm0, $0xb8;
	[tilespmem:$0x10200] =	vst v63  }
0x11e: {  	v3 =	vld [tilespmem:$0x190];
	_ =	sdelay $0x4  }
0x11f: {  	v57 =	vshll.u32 v3, $0x1  }
0x120: {  	v3 =	vand.u32 $0x7, v3;
	v4 =	vand.u32 $0xFFFFFFF0, v57  }
0x121: {  	v3 =	vor.u32 v3, v4  }
0x122: {  	v4 =	vperm.xlane v3, v0;
	_ =	sdelay $0x1  }
0x123: {  	v3 =	vperm.xlane v3, v2;
	v4 =	vadd.s32 v1, v4;
	_ =	sdelay $0x1  }
0x124: {  	v3 =	vadd.s32 v1, v3;
	_ =	sdelay $0x2  }
0x125: {  	[tilespmem:s2], [sflag:$0x1] =	stream.indirect_vreg.gather [hbm4b:s1+s3], $0x80, v4, vm0, $0xb8;
	[tilespmem:$0x10200] =	vst v63  }
0x126: {  	_ = 	snop  }
0x127: {  	[tilespmem:s8], [sflag:$0x1] =	stream.indirect_vreg.gather [hbm4b:s1+s3], $0x80, v3, vm0, $0xb8;
	[tilespmem:$0x10200] =	vst v63  }
0x128: {  	v3 =	vld [tilespmem:$0x1A0];
	_ =	sdelay $0x4  }
0x129: {  	v58 =	vshll.u32 v3, $0x1  }
0x12a: {  	v3 =	vand.u32 $0x7, v3;
	v4 =	vand.u32 $0xFFFFFFF0, v58  }
0x12b: {  	v3 =	vor.u32 v3, v4  }
0x12c: {  	v4 =	vperm.xlane v3, v0;
	_ =	sdelay $0x1  }
0x12d: {  	v3 =	vperm.xlane v3, v2;
	v4 =	vadd.s32 v1, v4;
	_ =	sdelay $0x1  }
0x12e: {  	v3 =	vadd.s32 v1, v3;
	_ =	sdelay $0x2  }
0x12f: {  	[tilespmem:s9], [sflag:$0x1] =	stream.indirect_vreg.gather [hbm4b:s1+s3], $0x80, v4, vm0, $0xb8;
	[tilespmem:$0x10200] =	vst v63  }
0x130: {  	_ = 	snop  }
0x131: {  	[tilespmem:s10], [sflag:$0x1] =	stream.indirect_vreg.gather [hbm4b:s1+s3], $0x80, v3, vm0, $0xb8;
	[tilespmem:$0x10200] =	vst v63  }
0x132: {  	v3 =	vld [tilespmem:$0x1B0];
	_ =	sdelay $0x4  }
0x133: {  	v59 =	vshll.u32 v3, $0x1  }
0x134: {  	v3 =	vand.u32 $0x7, v3;
	v4 =	vand.u32 $0xFFFFFFF0, v59  }
0x135: {  	v3 =	vor.u32 v3, v4  }
0x136: {  	v4 =	vperm.xlane v3, v0;
	_ =	sdelay $0x1  }
0x137: {  	v3 =	vperm.xlane v3, v2;
	v4 =	vadd.s32 v1, v4;
	_ =	sdelay $0x1  }
0x138: {  	v3 =	vadd.s32 v1, v3;
	_ =	sdelay $0x2  }
0x139: {  	[tilespmem:s11], [sflag:$0x1] =	stream.indirect_vreg.gather [hbm4b:s1+s3], $0x80, v4, vm0, $0xb8;
	[tilespmem:$0x10200] =	vst v63  }
0x13a: {  	_ = 	snop  }
0x13b: {  	[tilespmem:s12], [sflag:$0x1] =	stream.indirect_vreg.gather [hbm4b:s1+s3], $0x80, v3, vm0, $0xb8;
	[tilespmem:$0x10200] =	vst v63  }
0x13c: {  	v3 =	vld [tilespmem:$0x1C0];
	_ =	sdelay $0x4  }
0x13d: {  	v60 =	vshll.u32 v3, $0x1  }
0x13e: {  	v3 =	vand.u32 $0x7, v3;
	v4 =	vand.u32 $0xFFFFFFF0, v60  }
0x13f: {  	v3 =	vor.u32 v3, v4  }
0x140: {  	v4 =	vperm.xlane v3, v0;
	_ =	sdelay $0x1  }
0x141: {  	v3 =	vperm.xlane v3, v2;
	v4 =	vadd.s32 v1, v4;
	_ =	sdelay $0x1  }
0x142: {  	v3 =	vadd.s32 v1, v3;
	_ =	sdelay $0x2  }
0x143: {  	[tilespmem:s13], [sflag:$0x1] =	stream.indirect_vreg.gather [hbm4b:s1+s3], $0x80, v4, vm0, $0xb8;
	[tilespmem:$0x10200] =	vst v63  }
0x144: {  	_ = 	snop  }
0x145: {  	[tilespmem:s7], [sflag:$0x1] =	stream.indirect_vreg.gather [hbm4b:s1+s3], $0x80, v3, vm0, $0xb8;
	[tilespmem:$0x10200] =	vst v63  }
0x146: {  	v3 =	vld [tilespmem:$0x1D0];
	_ =	sdelay $0x4  }
0x147: {  	v61 =	vshll.u32 v3, $0x1  }
0x148: {  	v3 =	vand.u32 $0x7, v3;
	v4 =	vand.u32 $0xFFFFFFF0, v61  }
0x149: {  	v3 =	vor.u32 v3, v4  }
0x14a: {  	v4 =	vperm.xlane v3, v0;
	_ =	sdelay $0x1  }
0x14b: {  	v3 =	vperm.xlane v3, v2;
	v4 =	vadd.s32 v1, v4;
	_ =	sdelay $0x1  }
0x14c: {  	v3 =	vadd.s32 v1, v3;
	_ =	sdelay $0x1  }
0x14d: {  	s15 =	simm.s32 $0xD200  }
0x14e: {  	[tilespmem:s15], [sflag:$0x1] =	stream.indirect_vreg.gather [hbm4b:s1+s3], $0x80, v4, vm0, $0xb8;
	[tilespmem:$0x10200] =	vst v63  }
0x14f: {  	s15 =	simm.s32 $0xDA00  }
0x150: {  	[tilespmem:s15], [sflag:$0x1] =	stream.indirect_vreg.gather [hbm4b:s1+s3], $0x80, v3, vm0, $0xb8;
	[tilespmem:$0x10200] =	vst v63  }
0x151: {  	v3 =	vld [tilespmem:$0x1E0];
	_ =	sdelay $0x4  }
0x152: {  	v62 =	vshll.u32 v3, $0x1  }
0x153: {  	v3 =	vand.u32 $0x7, v3;
	v4 =	vand.u32 $0xFFFFFFF0, v62  }
0x154: {  	v3 =	vor.u32 v3, v4  }
0x155: {  	v4 =	vperm.xlane v3, v0;
	_ =	sdelay $0x1  }
0x156: {  	v3 =	vperm.xlane v3, v2;
	v4 =	vadd.s32 v1, v4;
	_ =	sdelay $0x1  }
0x157: {  	v3 =	vadd.s32 v1, v3;
	_ =	sdelay $0x1  }
0x158: {  	s15 =	simm.s32 $0xE200  }
0x159: {  	[tilespmem:s15], [sflag:$0x1] =	stream.indirect_vreg.gather [hbm4b:s1+s3], $0x80, v4, vm0, $0xb8;
	[tilespmem:$0x10200] =	vst v63  }
0x15a: {  	s15 =	simm.s32 $0xEA00  }
0x15b: {  	[tilespmem:s15], [sflag:$0x1] =	stream.indirect_vreg.gather [hbm4b:s1+s3], $0x80, v3, vm0, $0xb8;
	[tilespmem:$0x10200] =	vst v63  }
0x15c: {  	v3 =	vld [tilespmem:$0x1F0];
	_ =	sdelay $0x4  }
0x15d: {  	v63 =	vshll.u32 v3, $0x1  }
0x15e: {  	v3 =	vand.u32 $0x7, v3;
	v4 =	vand.u32 $0xFFFFFFF0, v63  }
0x15f: {  	v3 =	vor.u32 v3, v4  }
0x160: {  	v4 =	vperm.xlane v3, v0;
	_ =	sdelay $0x1  }
0x161: {  	v3 =	vperm.xlane v3, v2;
	v4 =	vadd.s32 v1, v4;
	_ =	sdelay $0x1  }
0x162: {  	v3 =	vadd.s32 v1, v3;
	_ =	sdelay $0x1  }
0x163: {  	s15 =	simm.s32 $0xF200  }
0x164: {  	[tilespmem:s15], [sflag:$0x1] =	stream.indirect_vreg.gather [hbm4b:s1+s3], $0x80, v4, vm0, $0xb8;
	[tilespmem:$0x10200] =	vst v63  }
0x165: {  	s15 =	simm.s32 $0xFA00  }
0x166: {  	[tilespmem:s15], [sflag:$0x1] =	stream.indirect_vreg.gather [hbm4b:s1+s3], $0x80, v3, vm0, $0xb8;
	[tilespmem:$0x10200] =	vst v63  }
0x167: {  	_ =	swait.ge [sflag:s14], $0x10000  }
0x168: {  	p0 =	sne.s32 s5, $0x1;
	s20 =	simm.s32 $0x200;
	[sflag:s14] =	ssyncset.done $0x0  }
.Ltmp0:
0x169: {  	s0 =	rddreg [dreg:$0x5];
	[sflag:s14] =	ssyncadd.s32 $0xFFFF0000;
	(pc) =	sbr.rel @p0 .LBB2_1-.Ltmp0, $4  }
0x16a: {  	[hbm4b:s0+s3] =	stream.linear.scatter [tilespmem:s20], [sflag:$0x2], $0x10000, $0x38;
	[tilespmem:$0x10200] =	vst v63  }
0x16b: {  	_ =	swait.ge [sflag:s6], $0x10000  }
0x16c: {  	[sflag:s6] =	ssyncset.done $0x0  }
0x16d: {  	s5 =	sadd.s32 $0xFFFFFFFF, s5;
	[sflag:s6] =	ssyncadd.s32 $0xFFFF0000  }
0x16e: {  	_ =	sfence.sel $0x180000  }
0x16f: {  	[bflag:$0x0] =	sbarrier.arrive $0xFFFF  }
0x170: {  	_ =	strace $0x90000047  }
0x171: {  	s0 =	stileid.u32;
	[bflag:$0x2] =	sbarrier.arrive $0xFFFF  }
0x172: {  	p0 =	sne.s32 s0, $0x0;
	s0 =	rddreg [dreg:$0x3]  }
0x173: {  	s0 =	sadd.s32 @!p0 $0x100000, s0  }
0x174: {  	[sflag:s0] =	ssyncadd.tile.s32 @!p0 $0x1;
	_ =	shalt  }
.Lfunc_end2:
_tile_overlayer_lowered:
.L_overlay_start_2:
0x175: {  	(tag) =	ssettag $0x2  }
0x176: {  	s0 =	rddreg [dreg:$0x0];
	s2 =	stileid.u32  }
0x177: {  	s1 =	rddreg [dreg:$0x1];
	p0 =	sne.s32 s2, $0x0  }
0x178: {  	s3 =	rddreg [dreg:$0x2];
	[bflag:$0x3] =	sbarrier.arrive $0xFFFF;
	s2 =	simm.s32 @!p0 $0x1C02  }
0x179: {  	[timem:s3], [sflag:s2] =	dma.local @!p0 [hbm:s0], s1  }
0x17a: {  	s0 =	simm.s32 @!p0 $0x2  }
0x17b: {  	_ =	swait.ge @!p0 [sflag:s0], s1  }
0x17c: {  	s1 =	ssub.s32 @!p0 $0x0, s1;
	[sflag:s0] =	ssyncset.done @!p0 $0x0  }
0x17d: {  	[sflag:s0] =	ssyncadd.s32 @!p0 s1  }
0x17e: {  	[bflag:$0x3] =	sbarrier.arrive $0xFFFF  }
0x17f: {  	_ =	shalt  }

</sc_bundles>
